<compile_context>
chip_gen: v7x
topology: tpu7x:2x2x1
jax: 0.10.2.dev20260603
libtpu: 0.0.44.dev20260713+nightly
codegen_flags: <defaults>
</compile_context>

<pallas_src>
import functools

import jax
import jax.numpy as jnp
from jax import lax
from jax.experimental import pallas as pl
from jax.experimental.pallas import tpu as pltpu
from jax.experimental.pallas import tpu_sc as plsc

_V = 1000000
_D = 64
_B, _L = 4096, 200
_N = _B * _L

_NC = 2
_NS = 16
_NW = _NC * _NS
_PER_W = _N // _NW
_C = 128
_NCHUNK = _PER_W // _C

_mesh = plsc.VectorSubcoreMesh(core_axis_name="c", subcore_axis_name="s")


@functools.partial(
    pl.kernel,
    out_type=jax.ShapeDtypeStruct((_B, _L, _D), jnp.float32),
    mesh=_mesh,
    compiler_params=pltpu.CompilerParams(needs_layout_passes=False),
    scratch_types=[
        pltpu.VMEM((_PER_W,), jnp.int32),
        pltpu.VMEM((2, _C, 16), jnp.int32),
        pltpu.VMEM((2, _C, 2 * _D), jnp.float32),
        pltpu.VMEM((2, _C, _D), jnp.float32),
        pltpu.SemaphoreType.DMA,
        pltpu.SemaphoreType.DMA,
        pltpu.SemaphoreType.DMA,
        pltpu.SemaphoreType.DMA,
        pltpu.SemaphoreType.DMA,
        pltpu.SemaphoreType.DMA,
    ],
)
def _emb_lookup(packed, idxj_hbm, pm_hbm, out_hbm, idxj_v, pm_v, rows_v,
                rows_c, sg0, sg1, sm0, sm1, sw0, sw1):
    out2 = out_hbm.reshape(_N, _D)
    pm3 = pm_hbm.reshape(_N, 16)
    wid = lax.axis_index("s") * _NC + lax.axis_index("c")
    base = wid * _PER_W
    gsems = (sg0, sg1)
    msems = (sm0, sm1)
    wsems = (sw0, sw1)
    zero = jnp.zeros((16,), jnp.int32)

    pltpu.sync_copy(idxj_hbm.at[pl.ds(base, _PER_W)], idxj_v)

    def start_gather(i, b):
        pltpu.async_copy(
            packed.at[idxj_v.at[pl.ds(i * _C, _C)]], rows_v.at[b], gsems[b])
        pltpu.async_copy(
            pm3.at[pl.ds(base + i * _C, _C)], pm_v.at[b], msems[b])

    def wait_gather(i, b):
        pltpu.make_async_copy(
            packed.at[idxj_v.at[pl.ds(i * _C, _C)]], rows_v.at[b],
            gsems[b]).wait()
        pltpu.make_async_copy(
            pm3.at[pl.ds(base + i * _C, _C)], pm_v.at[b], msems[b]).wait()

    def compact(b):
        def blk_body(rb, carry):
            for rr in range(8):
                r = rb * 8 + rr
                m = pm_v[b, r, pl.ds(0, 16)] != zero
                for k in range(_D // 16):
                    lo = rows_v[b, r, pl.ds(16 * k, 16)]
                    hi = rows_v[b, r, pl.ds(_D + 16 * k, 16)]
                    rows_c[b, r, pl.ds(16 * k, 16)] = jnp.where(m, hi, lo)
            return carry

        lax.fori_loop(0, _C // 8, blk_body, 0)

    def start_write(i, b):
        pltpu.async_copy(
            rows_c.at[b], out2.at[pl.ds(base + i * _C, _C)], wsems[b])

    def wait_write(i, b):
        pltpu.make_async_copy(
            rows_c.at[b], out2.at[pl.ds(base + i * _C, _C)], wsems[b]).wait()

    start_gather(0, 0)

    def pair_body(io, carry):
        for b in range(2):
            i = 2 * io + b

            @pl.when(i + 1 < _NCHUNK)
            def _():
                start_gather(i + 1, 1 - b)

            wait_gather(i, b)

            @pl.when(i >= 2)
            def _():
                wait_write(i - 2, b)

            compact(b)
            start_write(i, b)
        return carry

    lax.fori_loop(0, _NCHUNK // 2, pair_body, 0)
    wait_write(_NCHUNK - 2, 0)
    wait_write(_NCHUNK - 1, 1)


def kernel(y, table):
    packed = table.reshape(_V // 2, 2 * _D)
    yf = y.reshape(_N)
    idxj = yf >> 1
    pm = jnp.broadcast_to((yf & 1)[:, None], (_N, 16))
    return _emb_lookup(packed, idxj, pm)

# --- scband reference (transcript-rebuilt; emitter-appended) ---
"""Pipeline reference for scband-embedding-21835613733197 (READ-ONLY COPY).

The authoritative reference and input builder live on the scoring server;
editing this copy changes nothing except your own understanding.
"""

import jax, jax.numpy as jnp
import numpy as np

NUM_CLASSES = 1000000
EMBED_DIM = 64
B, L = 4096, 200

def setup_inputs(seed: int = 0) -> dict:
    key = jax.random.key(seed)
    k1, k2 = jax.random.split(key)
    y = jax.random.randint(k1, (B, L), 0, NUM_CLASSES, dtype=jnp.int32)
    table = jax.random.normal(k2, (NUM_CLASSES, EMBED_DIM), dtype=jnp.float32)
    # nn.Embedding with padding_idx=-1 -> row (NUM_CLASSES-1) initialized to zero
    table = table.at[NUM_CLASSES - 1].set(0.0)
    return {"y": y, "table": table}

def reference(y, table):
    # Embedding lookup; dropout p=0 is identity in eval/forward
    out = jnp.take(table, y, axis=0)
    return out

if __name__ == "__main__":
    import jax
    _d = setup_inputs()
    print(jax.jit(kernel)(*tuple(_d.values())))

</pallas_src>

<mosaic_0001>
#map = affine_map<(d0, d1) -> (0, 0)>
#map1 = affine_map<(d0, d1) -> (0)>
#map2 = affine_map<(d0, d1) -> (0, 0, 0)>
module attributes {stable_mosaic.version = 14 : i64} {
  func.func @_emb_lookup(%arg0: i32, %arg1: i32, %arg2: memref<500000x128xf32, #tpu.memory_space<hbm>>, %arg3: memref<819200xi32, #tpu.memory_space<hbm>>, %arg4: memref<819200x16xi32, #tpu.memory_space<hbm>>, %arg5: memref<4096x200x64xf32, #tpu.memory_space<hbm>>, %arg6: memref<25600xi32, #tpu.memory_space<vmem>>, %arg7: memref<2x128x16xi32, #tpu.memory_space<vmem>>, %arg8: memref<2x128x128xf32, #tpu.memory_space<vmem>>, %arg9: memref<2x128x64xf32, #tpu.memory_space<vmem>>, %arg10: memref<!tpu.dma_semaphore, #tpu.memory_space<semaphore_mem>>, %arg11: memref<!tpu.dma_semaphore, #tpu.memory_space<semaphore_mem>>, %arg12: memref<!tpu.dma_semaphore, #tpu.memory_space<semaphore_mem>>, %arg13: memref<!tpu.dma_semaphore, #tpu.memory_space<semaphore_mem>>, %arg14: memref<!tpu.dma_semaphore, #tpu.memory_space<semaphore_mem>>, %arg15: memref<!tpu.dma_semaphore, #tpu.memory_space<semaphore_mem>>) attributes {dimension_semantics = [#tpu.dimension_semantics<core_parallel>, #tpu.dimension_semantics<subcore_parallel>], iteration_bounds = array<i64: 2, 16>, scalar_prefetch = 0 : i64, scratch_operands = 10 : i64, tpu.core_type = #tpu.core_type<sc_vector_subcore>, window_params = [{transform_indices = #map}, {transform_indices = #map1}, {transform_indices = #map}, {transform_indices = #map2}]} {
    %mul3A = arith.constant 2 : i32
    %mul3A_0 = arith.muli %arg1, %mul3A : i32
    %add3A = arith.addi %mul3A_0, %arg0 : i32
    %mul3A_1 = arith.constant 25600 : i32
    %mul3A_2 = arith.muli %add3A, %mul3A_1 : i32
    %broadcast_in_dim3A = arith.constant 0 : i32
    %broadcast_in_dim3A_3 = vector.broadcast %broadcast_in_dim3A : i32 to vector<16xi32>
    "tpu.region"() ({
      %run_scoped3A = tpu.sem_alloc : memref<!tpu.dma_semaphore, #tpu.memory_space<semaphore_mem>>
      %dma_start3A_68 = tpu.memref_slice %arg3[%mul3A_2] : memref<819200xi32, #tpu.memory_space<hbm>> -> memref<25600xi32, #tpu.memory_space<hbm>>
      %dma_start3A_69 = tpu.memref_slice %arg3[%mul3A_2] : memref<819200xi32, #tpu.memory_space<hbm>> -> memref<25600xi32, #tpu.memory_space<hbm>>
      tpu.enqueue_dma source(%dma_start3A_69 : memref<25600xi32, #tpu.memory_space<hbm>>) target(%arg6 : memref<25600xi32, #tpu.memory_space<vmem>>) target_semaphore(%run_scoped3A : memref<!tpu.dma_semaphore, #tpu.memory_space<semaphore_mem>>)
      %dma_wait3A_70 = tpu.memref_slice %arg3[%mul3A_2] : memref<819200xi32, #tpu.memory_space<hbm>> -> memref<25600xi32, #tpu.memory_space<hbm>>
      %dma_wait3A_71 = tpu.memref_slice %arg3[%mul3A_2] : memref<819200xi32, #tpu.memory_space<hbm>> -> memref<25600xi32, #tpu.memory_space<hbm>>
      tpu.wait_dma2 semaphore(%run_scoped3A : memref<!tpu.dma_semaphore, #tpu.memory_space<semaphore_mem>>) src(%dma_wait3A_71 : memref<25600xi32, #tpu.memory_space<hbm>>) dst(%arg6 : memref<25600xi32, #tpu.memory_space<vmem>>)
      tpu.yield
    }) : () -> ()
    %dma_start3A = arith.constant 0 : i32
    %dma_start3A_4 = arith.constant 0 : i32
    %dma_start3A_5 = arith.constant 0 : i32
    %dma_start3A_6 = tpu.memref_slice %arg8[%dma_start3A, %dma_start3A_4, %dma_start3A_5] : memref<2x128x128xf32, #tpu.memory_space<vmem>> -> memref<1x128x128xf32, #tpu.memory_space<vmem>>
    %dma_start3A_7 = tpu.memref_squeeze %dma_start3A_6 : memref<1x128x128xf32, #tpu.memory_space<vmem>> -> memref<128x128xf32, #tpu.memory_space<vmem>>
    %dma_start3A_8 = arith.constant 0 : i32
    %dma_start3A_9 = tpu.memref_slice %arg6[%dma_start3A_8] : memref<25600xi32, #tpu.memory_space<vmem>> -> memref<128xi32, #tpu.memory_space<vmem>>
    %dma_start3A_10 = arith.constant 0 : i32
    %dma_start3A_11 = arith.constant 0 : i32
    %dma_start3A_12 = tpu.memref_slice %arg2[%dma_start3A_10, %dma_start3A_11] : memref<500000x128xf32, #tpu.memory_space<hbm>> -> memref<500000x128xf32, #tpu.memory_space<hbm>>
    tpu.enqueue_indirect_dma source(%dma_start3A_12 : memref<500000x128xf32, #tpu.memory_space<hbm>>) target(%dma_start3A_7 : memref<128x128xf32, #tpu.memory_space<vmem>>) offsets(%dma_start3A_9 : memref<128xi32, #tpu.memory_space<vmem>>) semaphore(%arg10 : memref<!tpu.dma_semaphore, #tpu.memory_space<semaphore_mem>>)
    %add3A_13 = arith.constant 0 : i32
    %add3A_14 = arith.addi %mul3A_2, %add3A_13 : i32
    %dma_start3A_15 = arith.constant 0 : i32
    %dma_start3A_16 = arith.constant 0 : i32
    %dma_start3A_17 = arith.constant 0 : i32
    %dma_start3A_18 = tpu.memref_slice %arg7[%dma_start3A_15, %dma_start3A_16, %dma_start3A_17] : memref<2x128x16xi32, #tpu.memory_space<vmem>> -> memref<1x128x16xi32, #tpu.memory_space<vmem>>
    %dma_start3A_19 = tpu.memref_squeeze %dma_start3A_18 : memref<1x128x16xi32, #tpu.memory_space<vmem>> -> memref<128x16xi32, #tpu.memory_space<vmem>>
    %dma_start3A_20 = tpu.memref_reshape %arg4 : memref<819200x16xi32, #tpu.memory_space<hbm>> -> memref<819200x16xi32, #tpu.memory_space<hbm>>
    %dma_start3A_21 = arith.constant 0 : i32
    %dma_start3A_22 = tpu.memref_slice %dma_start3A_20[%add3A_14, %dma_start3A_21] : memref<819200x16xi32, #tpu.memory_space<hbm>> -> memref<128x16xi32, #tpu.memory_space<hbm>>
    %dma_start3A_23 = arith.constant 0 : i32
    %dma_start3A_24 = arith.constant 0 : i32
    %dma_start3A_25 = tpu.memref_slice %arg7[%dma_start3A_15, %dma_start3A_23, %dma_start3A_24] : memref<2x128x16xi32, #tpu.memory_space<vmem>> -> memref<1x128x16xi32, #tpu.memory_space<vmem>>
    %dma_start3A_26 = tpu.memref_squeeze %dma_start3A_25 : memref<1x128x16xi32, #tpu.memory_space<vmem>> -> memref<128x16xi32, #tpu.memory_space<vmem>>
    %dma_start3A_27 = tpu.memref_reshape %arg4 : memref<819200x16xi32, #tpu.memory_space<hbm>> -> memref<819200x16xi32, #tpu.memory_space<hbm>>
    %dma_start3A_28 = arith.constant 0 : i32
    %dma_start3A_29 = tpu.memref_slice %dma_start3A_27[%add3A_14, %dma_start3A_28] : memref<819200x16xi32, #tpu.memory_space<hbm>> -> memref<128x16xi32, #tpu.memory_space<hbm>>
    tpu.enqueue_dma source(%dma_start3A_29 : memref<128x16xi32, #tpu.memory_space<hbm>>) target(%dma_start3A_26 : memref<128x16xi32, #tpu.memory_space<vmem>>) target_semaphore(%arg12 : memref<!tpu.dma_semaphore, #tpu.memory_space<semaphore_mem>>)
    %scan3A = arith.constant 0 : i32
    %scan3A_30 = arith.constant 0 : i32
    %scan3A_31 = arith.constant 100 : i32
    %scan3A_32 = arith.addi %scan3A_30, %scan3A_31 : i32
    %scan3A_33 = arith.constant 1 : i32
    scf.for %scan3A_68 = %scan3A_30 to %scan3A_32 step %scan3A_33  : i32 {
      %mul3A_69 = arith.constant 2 : i32
      %mul3A_70 = arith.muli %mul3A_69, %scan3A_68 : i32
      %add3A_71 = arith.constant 0 : i32
      %add3A_72 = arith.addi %mul3A_70, %add3A_71 : i32
      %add3A_73 = arith.constant 1 : i32
      %add3A_74 = arith.addi %add3A_72, %add3A_73 : i32
      %lt3A = arith.constant 200 : i32
      %lt3A_75 = arith.cmpi slt, %add3A_74, %lt3A : i32
      %convert_element_type3A = arith.extui %lt3A_75 : i1 to i32
      %cond3A = arith.constant 0 : i32
      %cond3A_76 = arith.cmpi ne, %convert_element_type3A, %cond3A : i32
      scf.if %cond3A_76 {
        %add3A_203 = arith.constant 1 : i32
        %add3A_204 = arith.addi %add3A_72, %add3A_203 : i32
        %mul3A_205 = arith.constant 128 : i32
        %mul3A_206 = arith.muli %add3A_204, %mul3A_205 : i32
        %dma_start3A_207 = arith.constant 1 : i32
        %dma_start3A_208 = arith.constant 0 : i32
        %dma_start3A_209 = arith.constant 0 : i32
        %dma_start3A_210 = tpu.memref_slice %arg8[%dma_start3A_207, %dma_start3A_208, %dma_start3A_209] : memref<2x128x128xf32, #tpu.memory_space<vmem>> -> memref<1x128x128xf32, #tpu.memory_space<vmem>>
        %dma_start3A_211 = tpu.memref_squeeze %dma_start3A_210 : memref<1x128x128xf32, #tpu.memory_space<vmem>> -> memref<128x128xf32, #tpu.memory_space<vmem>>
        %dma_start3A_212 = tpu.memref_slice %arg6[%mul3A_206] : memref<25600xi32, #tpu.memory_space<vmem>> -> memref<128xi32, #tpu.memory_space<vmem>>
        %dma_start3A_213 = arith.constant 0 : i32
        %dma_start3A_214 = arith.constant 0 : i32
        %dma_start3A_215 = tpu.memref_slice %arg2[%dma_start3A_213, %dma_start3A_214] : memref<500000x128xf32, #tpu.memory_space<hbm>> -> memref<500000x128xf32, #tpu.memory_space<hbm>>
        tpu.enqueue_indirect_dma source(%dma_start3A_215 : memref<500000x128xf32, #tpu.memory_space<hbm>>) target(%dma_start3A_211 : memref<128x128xf32, #tpu.memory_space<vmem>>) offsets(%dma_start3A_212 : memref<128xi32, #tpu.memory_space<vmem>>) semaphore(%arg11 : memref<!tpu.dma_semaphore, #tpu.memory_space<semaphore_mem>>)
        %mul3A_216 = arith.constant 128 : i32
        %mul3A_217 = arith.muli %add3A_204, %mul3A_216 : i32
        %add3A_218 = arith.addi %mul3A_2, %mul3A_217 : i32
        %dma_start3A_219 = arith.constant 1 : i32
        %dma_start3A_220 = arith.constant 0 : i32
        %dma_start3A_221 = arith.constant 0 : i32
        %dma_start3A_222 = tpu.memref_slice %arg7[%dma_start3A_219, %dma_start3A_220, %dma_start3A_221] : memref<2x128x16xi32, #tpu.memory_space<vmem>> -> memref<1x128x16xi32, #tpu.memory_space<vmem>>
        %dma_start3A_223 = tpu.memref_squeeze %dma_start3A_222 : memref<1x128x16xi32, #tpu.memory_space<vmem>> -> memref<128x16xi32, #tpu.memory_space<vmem>>
        %dma_start3A_224 = tpu.memref_reshape %arg4 : memref<819200x16xi32, #tpu.memory_space<hbm>> -> memref<819200x16xi32, #tpu.memory_space<hbm>>
        %dma_start3A_225 = arith.constant 0 : i32
        %dma_start3A_226 = tpu.memref_slice %dma_start3A_224[%add3A_218, %dma_start3A_225] : memref<819200x16xi32, #tpu.memory_space<hbm>> -> memref<128x16xi32, #tpu.memory_space<hbm>>
        %dma_start3A_227 = arith.constant 0 : i32
        %dma_start3A_228 = arith.constant 0 : i32
        %dma_start3A_229 = tpu.memref_slice %arg7[%dma_start3A_219, %dma_start3A_227, %dma_start3A_228] : memref<2x128x16xi32, #tpu.memory_space<vmem>> -> memref<1x128x16xi32, #tpu.memory_space<vmem>>
        %dma_start3A_230 = tpu.memref_squeeze %dma_start3A_229 : memref<1x128x16xi32, #tpu.memory_space<vmem>> -> memref<128x16xi32, #tpu.memory_space<vmem>>
        %dma_start3A_231 = tpu.memref_reshape %arg4 : memref<819200x16xi32, #tpu.memory_space<hbm>> -> memref<819200x16xi32, #tpu.memory_space<hbm>>
        %dma_start3A_232 = arith.constant 0 : i32
        %dma_start3A_233 = tpu.memref_slice %dma_start3A_231[%add3A_218, %dma_start3A_232] : memref<819200x16xi32, #tpu.memory_space<hbm>> -> memref<128x16xi32, #tpu.memory_space<hbm>>
        tpu.enqueue_dma source(%dma_start3A_233 : memref<128x16xi32, #tpu.memory_space<hbm>>) target(%dma_start3A_230 : memref<128x16xi32, #tpu.memory_space<vmem>>) target_semaphore(%arg13 : memref<!tpu.dma_semaphore, #tpu.memory_space<semaphore_mem>>)
      } else {
      }
      %mul3A_77 = arith.constant 128 : i32
      %mul3A_78 = arith.muli %add3A_72, %mul3A_77 : i32
      %dma_wait3A_79 = arith.constant 0 : i32
      %dma_wait3A_80 = arith.constant 0 : i32
      %dma_wait3A_81 = arith.constant 0 : i32
      %dma_wait3A_82 = tpu.memref_slice %arg8[%dma_wait3A_79, %dma_wait3A_80, %dma_wait3A_81] : memref<2x128x128xf32, #tpu.memory_space<vmem>> -> memref<1x128x128xf32, #tpu.memory_space<vmem>>
      %dma_wait3A_83 = tpu.memref_squeeze %dma_wait3A_82 : memref<1x128x128xf32, #tpu.memory_space<vmem>> -> memref<128x128xf32, #tpu.memory_space<vmem>>
      %dma_wait3A_84 = tpu.memref_slice %arg6[%mul3A_78] : memref<25600xi32, #tpu.memory_space<vmem>> -> memref<128xi32, #tpu.memory_space<vmem>>
      %dma_wait3A_85 = arith.constant 0 : i32
      %dma_wait3A_86 = arith.constant 0 : i32
      %dma_wait3A_87 = tpu.memref_slice %arg2[%dma_wait3A_85, %dma_wait3A_86] : memref<500000x128xf32, #tpu.memory_space<hbm>> -> memref<500000x128xf32, #tpu.memory_space<hbm>>
      tpu.wait_indirect_dma semaphore(%arg10 : memref<!tpu.dma_semaphore, #tpu.memory_space<semaphore_mem>>) src(%dma_wait3A_87 : memref<500000x128xf32, #tpu.memory_space<hbm>>) dst(%dma_wait3A_83 : memref<128x128xf32, #tpu.memory_space<vmem>>)
      %mul3A_88 = arith.constant 128 : i32
      %mul3A_89 = arith.muli %add3A_72, %mul3A_88 : i32
      %add3A_90 = arith.addi %mul3A_2, %mul3A_89 : i32
      %dma_wait3A_91 = arith.constant 0 : i32
      %dma_wait3A_92 = arith.constant 0 : i32
      %dma_wait3A_93 = arith.constant 0 : i32
      %dma_wait3A_94 = tpu.memref_slice %arg7[%dma_wait3A_91, %dma_wait3A_92, %dma_wait3A_93] : memref<2x128x16xi32, #tpu.memory_space<vmem>> -> memref<1x128x16xi32, #tpu.memory_space<vmem>>
      %dma_wait3A_95 = tpu.memref_squeeze %dma_wait3A_94 : memref<1x128x16xi32, #tpu.memory_space<vmem>> -> memref<128x16xi32, #tpu.memory_space<vmem>>
      %dma_wait3A_96 = tpu.memref_reshape %arg4 : memref<819200x16xi32, #tpu.memory_space<hbm>> -> memref<819200x16xi32, #tpu.memory_space<hbm>>
      %dma_wait3A_97 = arith.constant 0 : i32
      %dma_wait3A_98 = tpu.memref_slice %dma_wait3A_96[%add3A_90, %dma_wait3A_97] : memref<819200x16xi32, #tpu.memory_space<hbm>> -> memref<128x16xi32, #tpu.memory_space<hbm>>
      %dma_wait3A_99 = arith.constant 0 : i32
      %dma_wait3A_100 = arith.constant 0 : i32
      %dma_wait3A_101 = tpu.memref_slice %arg7[%dma_wait3A_91, %dma_wait3A_99, %dma_wait3A_100] : memref<2x128x16xi32, #tpu.memory_space<vmem>> -> memref<1x128x16xi32, #tpu.memory_space<vmem>>
      %dma_wait3A_102 = tpu.memref_squeeze %dma_wait3A_101 : memref<1x128x16xi32, #tpu.memory_space<vmem>> -> memref<128x16xi32, #tpu.memory_space<vmem>>
      %dma_wait3A_103 = tpu.memref_reshape %arg4 : memref<819200x16xi32, #tpu.memory_space<hbm>> -> memref<819200x16xi32, #tpu.memory_space<hbm>>
      %dma_wait3A_104 = arith.constant 0 : i32
      %dma_wait3A_105 = tpu.memref_slice %dma_wait3A_103[%add3A_90, %dma_wait3A_104] : memref<819200x16xi32, #tpu.memory_space<hbm>> -> memref<128x16xi32, #tpu.memory_space<hbm>>
      tpu.wait_dma2 semaphore(%arg12 : memref<!tpu.dma_semaphore, #tpu.memory_space<semaphore_mem>>) src(%dma_wait3A_105 : memref<128x16xi32, #tpu.memory_space<hbm>>) dst(%dma_wait3A_102 : memref<128x16xi32, #tpu.memory_space<vmem>>)
      %ge3A = arith.constant 2 : i32
      %ge3A_106 = arith.cmpi sge, %add3A_72, %ge3A : i32
      %convert_element_type3A_107 = arith.extui %ge3A_106 : i1 to i32
      %cond3A_108 = arith.constant 0 : i32
      %cond3A_109 = arith.cmpi ne, %convert_element_type3A_107, %cond3A_108 : i32
      scf.if %cond3A_109 {
        %sub3A = arith.constant 2 : i32
        %sub3A_203 = arith.subi %add3A_72, %sub3A : i32
        %mul3A_204 = arith.constant 128 : i32
        %mul3A_205 = arith.muli %sub3A_203, %mul3A_204 : i32
        %add3A_206 = arith.addi %mul3A_2, %mul3A_205 : i32
        %dma_wait3A_207 = arith.constant 0 : i32
        %dma_wait3A_208 = arith.constant 0 : i32
        %dma_wait3A_209 = arith.constant 0 : i32
        %dma_wait3A_210 = tpu.memref_slice %arg9[%dma_wait3A_207, %dma_wait3A_208, %dma_wait3A_209] : memref<2x128x64xf32, #tpu.memory_space<vmem>> -> memref<1x128x64xf32, #tpu.memory_space<vmem>>
        %dma_wait3A_211 = tpu.memref_squeeze %dma_wait3A_210 : memref<1x128x64xf32, #tpu.memory_space<vmem>> -> memref<128x64xf32, #tpu.memory_space<vmem>>
        %dma_wait3A_212 = tpu.memref_reshape %arg5 : memref<4096x200x64xf32, #tpu.memory_space<hbm>> -> memref<819200x64xf32, #tpu.memory_space<hbm>>
        %dma_wait3A_213 = arith.constant 0 : i32
        %dma_wait3A_214 = tpu.memref_slice %dma_wait3A_212[%add3A_206, %dma_wait3A_213] : memref<819200x64xf32, #tpu.memory_space<hbm>> -> memref<128x64xf32, #tpu.memory_space<hbm>>
        %dma_wait3A_215 = tpu.memref_reshape %arg5 : memref<4096x200x64xf32, #tpu.memory_space<hbm>> -> memref<819200x64xf32, #tpu.memory_space<hbm>>
        %dma_wait3A_216 = arith.constant 0 : i32
        %dma_wait3A_217 = tpu.memref_slice %dma_wait3A_215[%add3A_206, %dma_wait3A_216] : memref<819200x64xf32, #tpu.memory_space<hbm>> -> memref<128x64xf32, #tpu.memory_space<hbm>>
        %dma_wait3A_218 = arith.constant 0 : i32
        %dma_wait3A_219 = arith.constant 0 : i32
        %dma_wait3A_220 = tpu.memref_slice %arg9[%dma_wait3A_207, %dma_wait3A_218, %dma_wait3A_219] : memref<2x128x64xf32, #tpu.memory_space<vmem>> -> memref<1x128x64xf32, #tpu.memory_space<vmem>>
        %dma_wait3A_221 = tpu.memref_squeeze %dma_wait3A_220 : memref<1x128x64xf32, #tpu.memory_space<vmem>> -> memref<128x64xf32, #tpu.memory_space<vmem>>
        tpu.wait_dma2 semaphore(%arg14 : memref<!tpu.dma_semaphore, #tpu.memory_space<semaphore_mem>>) src(%dma_wait3A_221 : memref<128x64xf32, #tpu.memory_space<vmem>>) dst(%dma_wait3A_217 : memref<128x64xf32, #tpu.memory_space<hbm>>)
      } else {
      }
      %scan3A_110 = arith.constant 0 : i32
      %scan3A_111 = arith.constant 0 : i32
      %scan3A_112 = arith.constant 16 : i32
      %scan3A_113 = arith.addi %scan3A_111, %scan3A_112 : i32
      %scan3A_114 = arith.constant 1 : i32
      scf.for %scan3A_203 = %scan3A_111 to %scan3A_113 step %scan3A_114  : i32 {
        %mul3A_204 = arith.constant 8 : i32
        %mul3A_205 = arith.muli %scan3A_203, %mul3A_204 : i32
        %add3A_206 = arith.constant 0 : i32
        %add3A_207 = arith.addi %mul3A_205, %add3A_206 : i32
        %get3A = arith.constant 0 : i32
        %get3A_208 = arith.index_cast %get3A : i32 to index
        %get3A_209 = arith.index_cast %add3A_207 : i32 to index
        %get3A_210 = arith.constant 0 : index
        %get3A_211 = tpu.vector_load %arg7[%get3A_208, %get3A_209, %get3A_210] {strides = array<i32>} : memref<2x128x16xi32, #tpu.memory_space<vmem>>, vector<16xi32>,
        %ne3A = arith.cmpi ne, %get3A_211, %broadcast_in_dim3A_3 : vector<16xi32>
        %get3A_212 = arith.constant 0 : i32
        %get3A_213 = arith.index_cast %get3A_212 : i32 to index
        %get3A_214 = arith.index_cast %add3A_207 : i32 to index
        %get3A_215 = arith.constant 0 : index
        %get3A_216 = tpu.vector_load %arg8[%get3A_213, %get3A_214, %get3A_215] {strides = array<i32>} : memref<2x128x128xf32, #tpu.memory_space<vmem>>, vector<16xf32>,
        %get3A_217 = arith.constant 0 : i32
        %get3A_218 = arith.index_cast %get3A_217 : i32 to index
        %get3A_219 = arith.index_cast %add3A_207 : i32 to index
        %get3A_220 = arith.constant 64 : index
        %get3A_221 = tpu.vector_load %arg8[%get3A_218, %get3A_219, %get3A_220] {strides = array<i32>} : memref<2x128x128xf32, #tpu.memory_space<vmem>>, vector<16xf32>,
        %select_n3A = arith.select %ne3A, %get3A_221, %get3A_216 : vector<16xi1>, vector<16xf32>
        %swap3A = arith.constant 0 : i32
        %swap3A_222 = arith.index_cast %swap3A : i32 to index
        %swap3A_223 = arith.index_cast %add3A_207 : i32 to index
        %swap3A_224 = arith.constant 0 : index
        %swap3A_225 = tpu.vector_load %arg9[%swap3A_222, %swap3A_223, %swap3A_224] {strides = array<i32>} : memref<2x128x64xf32, #tpu.memory_space<vmem>>, vector<16xf32>,
        tpu.vector_store %arg9[%swap3A_222, %swap3A_223, %swap3A_224], %select_n3A {strides = array<i32>} : memref<2x128x64xf32, #tpu.memory_space<vmem>>, vector<16xf32>,
        %get3A_226 = arith.constant 0 : i32
        %get3A_227 = arith.index_cast %get3A_226 : i32 to index
        %get3A_228 = arith.index_cast %add3A_207 : i32 to index
        %get3A_229 = arith.constant 16 : index
        %get3A_230 = tpu.vector_load %arg8[%get3A_227, %get3A_228, %get3A_229] {strides = array<i32>} : memref<2x128x128xf32, #tpu.memory_space<vmem>>, vector<16xf32>,
        %get3A_231 = arith.constant 0 : i32
        %get3A_232 = arith.index_cast %get3A_231 : i32 to index
        %get3A_233 = arith.index_cast %add3A_207 : i32 to index
        %get3A_234 = arith.constant 80 : index
        %get3A_235 = tpu.vector_load %arg8[%get3A_232, %get3A_233, %get3A_234] {strides = array<i32>} : memref<2x128x128xf32, #tpu.memory_space<vmem>>, vector<16xf32>,
        %select_n3A_236 = arith.select %ne3A, %get3A_235, %get3A_230 : vector<16xi1>, vector<16xf32>
        %swap3A_237 = arith.constant 0 : i32
        %swap3A_238 = arith.index_cast %swap3A_237 : i32 to index
        %swap3A_239 = arith.index_cast %add3A_207 : i32 to index
        %swap3A_240 = arith.constant 16 : index
        %swap3A_241 = tpu.vector_load %arg9[%swap3A_238, %swap3A_239, %swap3A_240] {strides = array<i32>} : memref<2x128x64xf32, #tpu.memory_space<vmem>>, vector<16xf32>,
        tpu.vector_store %arg9[%swap3A_238, %swap3A_239, %swap3A_240], %select_n3A_236 {strides = array<i32>} : memref<2x128x64xf32, #tpu.memory_space<vmem>>, vector<16xf32>,
        %get3A_242 = arith.constant 0 : i32
        %get3A_243 = arith.index_cast %get3A_242 : i32 to index
        %get3A_244 = arith.index_cast %add3A_207 : i32 to index
        %get3A_245 = arith.constant 32 : index
        %get3A_246 = tpu.vector_load %arg8[%get3A_243, %get3A_244, %get3A_245] {strides = array<i32>} : memref<2x128x128xf32, #tpu.memory_space<vmem>>, vector<16xf32>,
        %get3A_247 = arith.constant 0 : i32
        %get3A_248 = arith.index_cast %get3A_247 : i32 to index
        %get3A_249 = arith.index_cast %add3A_207 : i32 to index
        %get3A_250 = arith.constant 96 : index
        %get3A_251 = tpu.vector_load %arg8[%get3A_248, %get3A_249, %get3A_250] {strides = array<i32>} : memref<2x128x128xf32, #tpu.memory_space<vmem>>, vector<16xf32>,
        %select_n3A_252 = arith.select %ne3A, %get3A_251, %get3A_246 : vector<16xi1>, vector<16xf32>
        %swap3A_253 = arith.constant 0 : i32
        %swap3A_254 = arith.index_cast %swap3A_253 : i32 to index
        %swap3A_255 = arith.index_cast %add3A_207 : i32 to index
        %swap3A_256 = arith.constant 32 : index
        %swap3A_257 = tpu.vector_load %arg9[%swap3A_254, %swap3A_255, %swap3A_256] {strides = array<i32>} : memref<2x128x64xf32, #tpu.memory_space<vmem>>, vector<16xf32>,
        tpu.vector_store %arg9[%swap3A_254, %swap3A_255, %swap3A_256], %select_n3A_252 {strides = array<i32>} : memref<2x128x64xf32, #tpu.memory_space<vmem>>, vector<16xf32>,
        %get3A_258 = arith.constant 0 : i32
        %get3A_259 = arith.index_cast %get3A_258 : i32 to index
        %get3A_260 = arith.index_cast %add3A_207 : i32 to index
        %get3A_261 = arith.constant 48 : index
        %get3A_262 = tpu.vector_load %arg8[%get3A_259, %get3A_260, %get3A_261] {strides = array<i32>} : memref<2x128x128xf32, #tpu.memory_space<vmem>>, vector<16xf32>,
        %get3A_263 = arith.constant 0 : i32
        %get3A_264 = arith.index_cast %get3A_263 : i32 to index
        %get3A_265 = arith.index_cast %add3A_207 : i32 to index
        %get3A_266 = arith.constant 112 : index
        %get3A_267 = tpu.vector_load %arg8[%get3A_264, %get3A_265, %get3A_266] {strides = array<i32>} : memref<2x128x128xf32, #tpu.memory_space<vmem>>, vector<16xf32>,
        %select_n3A_268 = arith.select %ne3A, %get3A_267, %get3A_262 : vector<16xi1>, vector<16xf32>
        %swap3A_269 = arith.constant 0 : i32
        %swap3A_270 = arith.index_cast %swap3A_269 : i32 to index
        %swap3A_271 = arith.index_cast %add3A_207 : i32 to index
        %swap3A_272 = arith.constant 48 : index
        %swap3A_273 = tpu.vector_load %arg9[%swap3A_270, %swap3A_271, %swap3A_272] {strides = array<i32>} : memref<2x128x64xf32, #tpu.memory_space<vmem>>, vector<16xf32>,
        tpu.vector_store %arg9[%swap3A_270, %swap3A_271, %swap3A_272], %select_n3A_268 {strides = array<i32>} : memref<2x128x64xf32, #tpu.memory_space<vmem>>, vector<16xf32>,
        %mul3A_274 = arith.constant 8 : i32
        %mul3A_275 = arith.muli %scan3A_203, %mul3A_274 : i32
        %add3A_276 = arith.constant 1 : i32
        %add3A_277 = arith.addi %mul3A_275, %add3A_276 : i32
        %get3A_278 = arith.constant 0 : i32
        %get3A_279 = arith.index_cast %get3A_278 : i32 to index
        %get3A_280 = arith.index_cast %add3A_277 : i32 to index
        %get3A_281 = arith.constant 0 : index
        %get3A_282 = tpu.vector_load %arg7[%get3A_279, %get3A_280, %get3A_281] {strides = array<i32>} : memref<2x128x16xi32, #tpu.memory_space<vmem>>, vector<16xi32>,
        %ne3A_283 = arith.cmpi ne, %get3A_282, %broadcast_in_dim3A_3 : vector<16xi32>
        %get3A_284 = arith.constant 0 : i32
        %get3A_285 = arith.index_cast %get3A_284 : i32 to index
        %get3A_286 = arith.index_cast %add3A_277 : i32 to index
        %get3A_287 = arith.constant 0 : index
        %get3A_288 = tpu.vector_load %arg8[%get3A_285, %get3A_286, %get3A_287] {strides = array<i32>} : memref<2x128x128xf32, #tpu.memory_space<vmem>>, vector<16xf32>,
        %get3A_289 = arith.constant 0 : i32
        %get3A_290 = arith.index_cast %get3A_289 : i32 to index
        %get3A_291 = arith.index_cast %add3A_277 : i32 to index
        %get3A_292 = arith.constant 64 : index
        %get3A_293 = tpu.vector_load %arg8[%get3A_290, %get3A_291, %get3A_292] {strides = array<i32>} : memref<2x128x128xf32, #tpu.memory_space<vmem>>, vector<16xf32>,
        %select_n3A_294 = arith.select %ne3A_283, %get3A_293, %get3A_288 : vector<16xi1>, vector<16xf32>
        %swap3A_295 = arith.constant 0 : i32
        %swap3A_296 = arith.index_cast %swap3A_295 : i32 to index
        %swap3A_297 = arith.index_cast %add3A_277 : i32 to index
        %swap3A_298 = arith.constant 0 : index
        %swap3A_299 = tpu.vector_load %arg9[%swap3A_296, %swap3A_297, %swap3A_298] {strides = array<i32>} : memref<2x128x64xf32, #tpu.memory_space<vmem>>, vector<16xf32>,
        tpu.vector_store %arg9[%swap3A_296, %swap3A_297, %swap3A_298], %select_n3A_294 {strides = array<i32>} : memref<2x128x64xf32, #tpu.memory_space<vmem>>, vector<16xf32>,
        %get3A_300 = arith.constant 0 : i32
        %get3A_301 = arith.index_cast %get3A_300 : i32 to index
        %get3A_302 = arith.index_cast %add3A_277 : i32 to index
        %get3A_303 = arith.constant 16 : index
        %get3A_304 = tpu.vector_load %arg8[%get3A_301, %get3A_302, %get3A_303] {strides = array<i32>} : memref<2x128x128xf32, #tpu.memory_space<vmem>>, vector<16xf32>,
        %get3A_305 = arith.constant 0 : i32
        %get3A_306 = arith.index_cast %get3A_305 : i32 to index
        %get3A_307 = arith.index_cast %add3A_277 : i32 to index
        %get3A_308 = arith.constant 80 : index
        %get3A_309 = tpu.vector_load %arg8[%get3A_306, %get3A_307, %get3A_308] {strides = array<i32>} : memref<2x128x128xf32, #tpu.memory_space<vmem>>, vector<16xf32>,
        %select_n3A_310 = arith.select %ne3A_283, %get3A_309, %get3A_304 : vector<16xi1>, vector<16xf32>
        %swap3A_311 = arith.constant 0 : i32
        %swap3A_312 = arith.index_cast %swap3A_311 : i32 to index
        %swap3A_313 = arith.index_cast %add3A_277 : i32 to index
        %swap3A_314 = arith.constant 16 : index
        %swap3A_315 = tpu.vector_load %arg9[%swap3A_312, %swap3A_313, %swap3A_314] {strides = array<i32>} : memref<2x128x64xf32, #tpu.memory_space<vmem>>, vector<16xf32>,
        tpu.vector_store %arg9[%swap3A_312, %swap3A_313, %swap3A_314], %select_n3A_310 {strides = array<i32>} : memref<2x128x64xf32, #tpu.memory_space<vmem>>, vector<16xf32>,
        %get3A_316 = arith.constant 0 : i32
        %get3A_317 = arith.index_cast %get3A_316 : i32 to index
        %get3A_318 = arith.index_cast %add3A_277 : i32 to index
        %get3A_319 = arith.constant 32 : index
        %get3A_320 = tpu.vector_load %arg8[%get3A_317, %get3A_318, %get3A_319] {strides = array<i32>} : memref<2x128x128xf32, #tpu.memory_space<vmem>>, vector<16xf32>,
        %get3A_321 = arith.constant 0 : i32
        %get3A_322 = arith.index_cast %get3A_321 : i32 to index
        %get3A_323 = arith.index_cast %add3A_277 : i32 to index
        %get3A_324 = arith.constant 96 : index
        %get3A_325 = tpu.vector_load %arg8[%get3A_322, %get3A_323, %get3A_324] {strides = array<i32>} : memref<2x128x128xf32, #tpu.memory_space<vmem>>, vector<16xf32>,
        %select_n3A_326 = arith.select %ne3A_283, %get3A_325, %get3A_320 : vector<16xi1>, vector<16xf32>
        %swap3A_327 = arith.constant 0 : i32
        %swap3A_328 = arith.index_cast %swap3A_327 : i32 to index
        %swap3A_329 = arith.index_cast %add3A_277 : i32 to index
        %swap3A_330 = arith.constant 32 : index
        %swap3A_331 = tpu.vector_load %arg9[%swap3A_328, %swap3A_329, %swap3A_330] {strides = array<i32>} : memref<2x128x64xf32, #tpu.memory_space<vmem>>, vector<16xf32>,
        tpu.vector_store %arg9[%swap3A_328, %swap3A_329, %swap3A_330], %select_n3A_326 {strides = array<i32>} : memref<2x128x64xf32, #tpu.memory_space<vmem>>, vector<16xf32>,
        %get3A_332 = arith.constant 0 : i32
        %get3A_333 = arith.index_cast %get3A_332 : i32 to index
        %get3A_334 = arith.index_cast %add3A_277 : i32 to index
        %get3A_335 = arith.constant 48 : index
        %get3A_336 = tpu.vector_load %arg8[%get3A_333, %get3A_334, %get3A_335] {strides = array<i32>} : memref<2x128x128xf32, #tpu.memory_space<vmem>>, vector<16xf32>,
        %get3A_337 = arith.constant 0 : i32
        %get3A_338 = arith.index_cast %get3A_337 : i32 to index
        %get3A_339 = arith.index_cast %add3A_277 : i32 to index
        %get3A_340 = arith.constant 112 : index
        %get3A_341 = tpu.vector_load %arg8[%get3A_338, %get3A_339, %get3A_340] {strides = array<i32>} : memref<2x128x128xf32, #tpu.memory_space<vmem>>, vector<16xf32>,
        %select_n3A_342 = arith.select %ne3A_283, %get3A_341, %get3A_336 : vector<16xi1>, vector<16xf32>
        %swap3A_343 = arith.constant 0 : i32
        %swap3A_344 = arith.index_cast %swap3A_343 : i32 to index
        %swap3A_345 = arith.index_cast %add3A_277 : i32 to index
        %swap3A_346 = arith.constant 48 : index
        %swap3A_347 = tpu.vector_load %arg9[%swap3A_344, %swap3A_345, %swap3A_346] {strides = array<i32>} : memref<2x128x64xf32, #tpu.memory_space<vmem>>, vector<16xf32>,
        tpu.vector_store %arg9[%swap3A_344, %swap3A_345, %swap3A_346], %select_n3A_342 {strides = array<i32>} : memref<2x128x64xf32, #tpu.memory_space<vmem>>, vector<16xf32>,
        %mul3A_348 = arith.constant 8 : i32
        %mul3A_349 = arith.muli %scan3A_203, %mul3A_348 : i32
        %add3A_350 = arith.constant 2 : i32
        %add3A_351 = arith.addi %mul3A_349, %add3A_350 : i32
        %get3A_352 = arith.constant 0 : i32
        %get3A_353 = arith.index_cast %get3A_352 : i32 to index
        %get3A_354 = arith.index_cast %add3A_351 : i32 to index
        %get3A_355 = arith.constant 0 : index
        %get3A_356 = tpu.vector_load %arg7[%get3A_353, %get3A_354, %get3A_355] {strides = array<i32>} : memref<2x128x16xi32, #tpu.memory_space<vmem>>, vector<16xi32>,
        %ne3A_357 = arith.cmpi ne, %get3A_356, %broadcast_in_dim3A_3 : vector<16xi32>
        %get3A_358 = arith.constant 0 : i32
        %get3A_359 = arith.index_cast %get3A_358 : i32 to index
        %get3A_360 = arith.index_cast %add3A_351 : i32 to index
        %get3A_361 = arith.constant 0 : index
        %get3A_362 = tpu.vector_load %arg8[%get3A_359, %get3A_360, %get3A_361] {strides = array<i32>} : memref<2x128x128xf32, #tpu.memory_space<vmem>>, vector<16xf32>,
        %get3A_363 = arith.constant 0 : i32
        %get3A_364 = arith.index_cast %get3A_363 : i32 to index
        %get3A_365 = arith.index_cast %add3A_351 : i32 to index
        %get3A_366 = arith.constant 64 : index
        %get3A_367 = tpu.vector_load %arg8[%get3A_364, %get3A_365, %get3A_366] {strides = array<i32>} : memref<2x128x128xf32, #tpu.memory_space<vmem>>, vector<16xf32>,
        %select_n3A_368 = arith.select %ne3A_357, %get3A_367, %get3A_362 : vector<16xi1>, vector<16xf32>
        %swap3A_369 = arith.constant 0 : i32
        %swap3A_370 = arith.index_cast %swap3A_369 : i32 to index
        %swap3A_371 = arith.index_cast %add3A_351 : i32 to index
        %swap3A_372 = arith.constant 0 : index
        %swap3A_373 = tpu.vector_load %arg9[%swap3A_370, %swap3A_371, %swap3A_372] {strides = array<i32>} : memref<2x128x64xf32, #tpu.memory_space<vmem>>, vector<16xf32>,
        tpu.vector_store %arg9[%swap3A_370, %swap3A_371, %swap3A_372], %select_n3A_368 {strides = array<i32>} : memref<2x128x64xf32, #tpu.memory_space<vmem>>, vector<16xf32>,
        %get3A_374 = arith.constant 0 : i32
        %get3A_375 = arith.index_cast %get3A_374 : i32 to index
        %get3A_376 = arith.index_cast %add3A_351 : i32 to index
        %get3A_377 = arith.constant 16 : index
        %get3A_378 = tpu.vector_load %arg8[%get3A_375, %get3A_376, %get3A_377] {strides = array<i32>} : memref<2x128x128xf32, #tpu.memory_space<vmem>>, vector<16xf32>,
        %get3A_379 = arith.constant 0 : i32
        %get3A_380 = arith.index_cast %get3A_379 : i32 to index
        %get3A_381 = arith.index_cast %add3A_351 : i32 to index
        %get3A_382 = arith.constant 80 : index
        %get3A_383 = tpu.vector_load %arg8[%get3A_380, %get3A_381, %get3A_382] {strides = array<i32>} : memref<2x128x128xf32, #tpu.memory_space<vmem>>, vector<16xf32>,
        %select_n3A_384 = arith.select %ne3A_357, %get3A_383, %get3A_378 : vector<16xi1>, vector<16xf32>
        %swap3A_385 = arith.constant 0 : i32
        %swap3A_386 = arith.index_cast %swap3A_385 : i32 to index
        %swap3A_387 = arith.index_cast %add3A_351 : i32 to index
        %swap3A_388 = arith.constant 16 : index
        %swap3A_389 = tpu.vector_load %arg9[%swap3A_386, %swap3A_387, %swap3A_388] {strides = array<i32>} : memref<2x128x64xf32, #tpu.memory_space<vmem>>, vector<16xf32>,
        tpu.vector_store %arg9[%swap3A_386, %swap3A_387, %swap3A_388], %select_n3A_384 {strides = array<i32>} : memref<2x128x64xf32, #tpu.memory_space<vmem>>, vector<16xf32>,
        %get3A_390 = arith.constant 0 : i32
        %get3A_391 = arith.index_cast %get3A_390 : i32 to index
        %get3A_392 = arith.index_cast %add3A_351 : i32 to index
        %get3A_393 = arith.constant 32 : index
        %get3A_394 = tpu.vector_load %arg8[%get3A_391, %get3A_392, %get3A_393] {strides = array<i32>} : memref<2x128x128xf32, #tpu.memory_space<vmem>>, vector<16xf32>,
        %get3A_395 = arith.constant 0 : i32
        %get3A_396 = arith.index_cast %get3A_395 : i32 to index
        %get3A_397 = arith.index_cast %add3A_351 : i32 to index
        %get3A_398 = arith.constant 96 : index
        %get3A_399 = tpu.vector_load %arg8[%get3A_396, %get3A_397, %get3A_398] {strides = array<i32>} : memref<2x128x128xf32, #tpu.memory_space<vmem>>, vector<16xf32>,
        %select_n3A_400 = arith.select %ne3A_357, %get3A_399, %get3A_394 : vector<16xi1>, vector<16xf32>
        %swap3A_401 = arith.constant 0 : i32
        %swap3A_402 = arith.index_cast %swap3A_401 : i32 to index
        %swap3A_403 = arith.index_cast %add3A_351 : i32 to index
        %swap3A_404 = arith.constant 32 : index
        %swap3A_405 = tpu.vector_load %arg9[%swap3A_402, %swap3A_403, %swap3A_404] {strides = array<i32>} : memref<2x128x64xf32, #tpu.memory_space<vmem>>, vector<16xf32>,
        tpu.vector_store %arg9[%swap3A_402, %swap3A_403, %swap3A_404], %select_n3A_400 {strides = array<i32>} : memref<2x128x64xf32, #tpu.memory_space<vmem>>, vector<16xf32>,
        %get3A_406 = arith.constant 0 : i32
        %get3A_407 = arith.index_cast %get3A_406 : i32 to index
        %get3A_408 = arith.index_cast %add3A_351 : i32 to index
        %get3A_409 = arith.constant 48 : index
        %get3A_410 = tpu.vector_load %arg8[%get3A_407, %get3A_408, %get3A_409] {strides = array<i32>} : memref<2x128x128xf32, #tpu.memory_space<vmem>>, vector<16xf32>,
        %get3A_411 = arith.constant 0 : i32
        %get3A_412 = arith.index_cast %get3A_411 : i32 to index
        %get3A_413 = arith.index_cast %add3A_351 : i32 to index
        %get3A_414 = arith.constant 112 : index
        %get3A_415 = tpu.vector_load %arg8[%get3A_412, %get3A_413, %get3A_414] {strides = array<i32>} : memref<2x128x128xf32, #tpu.memory_space<vmem>>, vector<16xf32>,
        %select_n3A_416 = arith.select %ne3A_357, %get3A_415, %get3A_410 : vector<16xi1>, vector<16xf32>
        %swap3A_417 = arith.constant 0 : i32
        %swap3A_418 = arith.index_cast %swap3A_417 : i32 to index
        %swap3A_419 = arith.index_cast %add3A_351 : i32 to index
        %swap3A_420 = arith.constant 48 : index
        %swap3A_421 = tpu.vector_load %arg9[%swap3A_418, %swap3A_419, %swap3A_420] {strides = array<i32>} : memref<2x128x64xf32, #tpu.memory_space<vmem>>, vector<16xf32>,
        tpu.vector_store %arg9[%swap3A_418, %swap3A_419, %swap3A_420], %select_n3A_416 {strides = array<i32>} : memref<2x128x64xf32, #tpu.memory_space<vmem>>, vector<16xf32>,
        %mul3A_422 = arith.constant 8 : i32
        %mul3A_423 = arith.muli %scan3A_203, %mul3A_422 : i32
        %add3A_424 = arith.constant 3 : i32
        %add3A_425 = arith.addi %mul3A_423, %add3A_424 : i32
        %get3A_426 = arith.constant 0 : i32
        %get3A_427 = arith.index_cast %get3A_426 : i32 to index
        %get3A_428 = arith.index_cast %add3A_425 : i32 to index
        %get3A_429 = arith.constant 0 : index
        %get3A_430 = tpu.vector_load %arg7[%get3A_427, %get3A_428, %get3A_429] {strides = array<i32>} : memref<2x128x16xi32, #tpu.memory_space<vmem>>, vector<16xi32>,
        %ne3A_431 = arith.cmpi ne, %get3A_430, %broadcast_in_dim3A_3 : vector<16xi32>
        %get3A_432 = arith.constant 0 : i32
        %get3A_433 = arith.index_cast %get3A_432 : i32 to index
        %get3A_434 = arith.index_cast %add3A_425 : i32 to index
        %get3A_435 = arith.constant 0 : index
        %get3A_436 = tpu.vector_load %arg8[%get3A_433, %get3A_434, %get3A_435] {strides = array<i32>} : memref<2x128x128xf32, #tpu.memory_space<vmem>>, vector<16xf32>,
        %get3A_437 = arith.constant 0 : i32
        %get3A_438 = arith.index_cast %get3A_437 : i32 to index
        %get3A_439 = arith.index_cast %add3A_425 : i32 to index
        %get3A_440 = arith.constant 64 : index
        %get3A_441 = tpu.vector_load %arg8[%get3A_438, %get3A_439, %get3A_440] {strides = array<i32>} : memref<2x128x128xf32, #tpu.memory_space<vmem>>, vector<16xf32>,
        %select_n3A_442 = arith.select %ne3A_431, %get3A_441, %get3A_436 : vector<16xi1>, vector<16xf32>
        %swap3A_443 = arith.constant 0 : i32
        %swap3A_444 = arith.index_cast %swap3A_443 : i32 to index
        %swap3A_445 = arith.index_cast %add3A_425 : i32 to index
        %swap3A_446 = arith.constant 0 : index
        %swap3A_447 = tpu.vector_load %arg9[%swap3A_444, %swap3A_445, %swap3A_446] {strides = array<i32>} : memref<2x128x64xf32, #tpu.memory_space<vmem>>, vector<16xf32>,
        tpu.vector_store %arg9[%swap3A_444, %swap3A_445, %swap3A_446], %select_n3A_442 {strides = array<i32>} : memref<2x128x64xf32, #tpu.memory_space<vmem>>, vector<16xf32>,
        %get3A_448 = arith.constant 0 : i32
        %get3A_449 = arith.index_cast %get3A_448 : i32 to index
        %get3A_450 = arith.index_cast %add3A_425 : i32 to index
        %get3A_451 = arith.constant 16 : index
        %get3A_452 = tpu.vector_load %arg8[%get3A_449, %get3A_450, %get3A_451] {strides = array<i32>} : memref<2x128x128xf32, #tpu.memory_space<vmem>>, vector<16xf32>,
        %get3A_453 = arith.constant 0 : i32
        %get3A_454 = arith.index_cast %get3A_453 : i32 to index
        %get3A_455 = arith.index_cast %add3A_425 : i32 to index
        %get3A_456 = arith.constant 80 : index
        %get3A_457 = tpu.vector_load %arg8[%get3A_454, %get3A_455, %get3A_456] {strides = array<i32>} : memref<2x128x128xf32, #tpu.memory_space<vmem>>, vector<16xf32>,
        %select_n3A_458 = arith.select %ne3A_431, %get3A_457, %get3A_452 : vector<16xi1>, vector<16xf32>
        %swap3A_459 = arith.constant 0 : i32
        %swap3A_460 = arith.index_cast %swap3A_459 : i32 to index
        %swap3A_461 = arith.index_cast %add3A_425 : i32 to index
        %swap3A_462 = arith.constant 16 : index
        %swap3A_463 = tpu.vector_load %arg9[%swap3A_460, %swap3A_461, %swap3A_462] {strides = array<i32>} : memref<2x128x64xf32, #tpu.memory_space<vmem>>, vector<16xf32>,
        tpu.vector_store %arg9[%swap3A_460, %swap3A_461, %swap3A_462], %select_n3A_458 {strides = array<i32>} : memref<2x128x64xf32, #tpu.memory_space<vmem>>, vector<16xf32>,
        %get3A_464 = arith.constant 0 : i32
        %get3A_465 = arith.index_cast %get3A_464 : i32 to index
        %get3A_466 = arith.index_cast %add3A_425 : i32 to index
        %get3A_467 = arith.constant 32 : index
        %get3A_468 = tpu.vector_load %arg8[%get3A_465, %get3A_466, %get3A_467] {strides = array<i32>} : memref<2x128x128xf32, #tpu.memory_space<vmem>>, vector<16xf32>,
        %get3A_469 = arith.constant 0 : i32
        %get3A_470 = arith.index_cast %get3A_469 : i32 to index
        %get3A_471 = arith.index_cast %add3A_425 : i32 to index
        %get3A_472 = arith.constant 96 : index
        %get3A_473 = tpu.vector_load %arg8[%get3A_470, %get3A_471, %get3A_472] {strides = array<i32>} : memref<2x128x128xf32, #tpu.memory_space<vmem>>, vector<16xf32>,
        %select_n3A_474 = arith.select %ne3A_431, %get3A_473, %get3A_468 : vector<16xi1>, vector<16xf32>
        %swap3A_475 = arith.constant 0 : i32
        %swap3A_476 = arith.index_cast %swap3A_475 : i32 to index
        %swap3A_477 = arith.index_cast %add3A_425 : i32 to index
        %swap3A_478 = arith.constant 32 : index
        %swap3A_479 = tpu.vector_load %arg9[%swap3A_476, %swap3A_477, %swap3A_478] {strides = array<i32>} : memref<2x128x64xf32, #tpu.memory_space<vmem>>, vector<16xf32>,
        tpu.vector_store %arg9[%swap3A_476, %swap3A_477, %swap3A_478], %select_n3A_474 {strides = array<i32>} : memref<2x128x64xf32, #tpu.memory_space<vmem>>, vector<16xf32>,
        %get3A_480 = arith.constant 0 : i32
        %get3A_481 = arith.index_cast %get3A_480 : i32 to index
        %get3A_482 = arith.index_cast %add3A_425 : i32 to index
        %get3A_483 = arith.constant 48 : index
        %get3A_484 = tpu.vector_load %arg8[%get3A_481, %get3A_482, %get3A_483] {strides = array<i32>} : memref<2x128x128xf32, #tpu.memory_space<vmem>>, vector<16xf32>,
        %get3A_485 = arith.constant 0 : i32
        %get3A_486 = arith.index_cast %get3A_485 : i32 to index
        %get3A_487 = arith.index_cast %add3A_425 : i32 to index
        %get3A_488 = arith.constant 112 : index
        %get3A_489 = tpu.vector_load %arg8[%get3A_486, %get3A_487, %get3A_488] {strides = array<i32>} : memref<2x128x128xf32, #tpu.memory_space<vmem>>, vector<16xf32>,
        %select_n3A_490 = arith.select %ne3A_431, %get3A_489, %get3A_484 : vector<16xi1>, vector<16xf32>
        %swap3A_491 = arith.constant 0 : i32
        %swap3A_492 = arith.index_cast %swap3A_491 : i32 to index
        %swap3A_493 = arith.index_cast %add3A_425 : i32 to index
        %swap3A_494 = arith.constant 48 : index
        %swap3A_495 = tpu.vector_load %arg9[%swap3A_492, %swap3A_493, %swap3A_494] {strides = array<i32>} : memref<2x128x64xf32, #tpu.memory_space<vmem>>, vector<16xf32>,
        tpu.vector_store %arg9[%swap3A_492, %swap3A_493, %swap3A_494], %select_n3A_490 {strides = array<i32>} : memref<2x128x64xf32, #tpu.memory_space<vmem>>, vector<16xf32>,
        %mul3A_496 = arith.constant 8 : i32
        %mul3A_497 = arith.muli %scan3A_203, %mul3A_496 : i32
        %add3A_498 = arith.constant 4 : i32
        %add3A_499 = arith.addi %mul3A_497, %add3A_498 : i32
        %get3A_500 = arith.constant 0 : i32
        %get3A_501 = arith.index_cast %get3A_500 : i32 to index
        %get3A_502 = arith.index_cast %add3A_499 : i32 to index
        %get3A_503 = arith.constant 0 : index
        %get3A_504 = tpu.vector_load %arg7[%get3A_501, %get3A_502, %get3A_503] {strides = array<i32>} : memref<2x128x16xi32, #tpu.memory_space<vmem>>, vector<16xi32>,
        %ne3A_505 = arith.cmpi ne, %get3A_504, %broadcast_in_dim3A_3 : vector<16xi32>
        %get3A_506 = arith.constant 0 : i32
        %get3A_507 = arith.index_cast %get3A_506 : i32 to index
        %get3A_508 = arith.index_cast %add3A_499 : i32 to index
        %get3A_509 = arith.constant 0 : index
        %get3A_510 = tpu.vector_load %arg8[%get3A_507, %get3A_508, %get3A_509] {strides = array<i32>} : memref<2x128x128xf32, #tpu.memory_space<vmem>>, vector<16xf32>,
        %get3A_511 = arith.constant 0 : i32
        %get3A_512 = arith.index_cast %get3A_511 : i32 to index
        %get3A_513 = arith.index_cast %add3A_499 : i32 to index
        %get3A_514 = arith.constant 64 : index
        %get3A_515 = tpu.vector_load %arg8[%get3A_512, %get3A_513, %get3A_514] {strides = array<i32>} : memref<2x128x128xf32, #tpu.memory_space<vmem>>, vector<16xf32>,
        %select_n3A_516 = arith.select %ne3A_505, %get3A_515, %get3A_510 : vector<16xi1>, vector<16xf32>
        %swap3A_517 = arith.constant 0 : i32
        %swap3A_518 = arith.index_cast %swap3A_517 : i32 to index
        %swap3A_519 = arith.index_cast %add3A_499 : i32 to index
        %swap3A_520 = arith.constant 0 : index
        %swap3A_521 = tpu.vector_load %arg9[%swap3A_518, %swap3A_519, %swap3A_520] {strides = array<i32>} : memref<2x128x64xf32, #tpu.memory_space<vmem>>, vector<16xf32>,
        tpu.vector_store %arg9[%swap3A_518, %swap3A_519, %swap3A_520], %select_n3A_516 {strides = array<i32>} : memref<2x128x64xf32, #tpu.memory_space<vmem>>, vector<16xf32>,
        %get3A_522 = arith.constant 0 : i32
        %get3A_523 = arith.index_cast %get3A_522 : i32 to index
        %get3A_524 = arith.index_cast %add3A_499 : i32 to index
        %get3A_525 = arith.constant 16 : index
        %get3A_526 = tpu.vector_load %arg8[%get3A_523, %get3A_524, %get3A_525] {strides = array<i32>} : memref<2x128x128xf32, #tpu.memory_space<vmem>>, vector<16xf32>,
        %get3A_527 = arith.constant 0 : i32
        %get3A_528 = arith.index_cast %get3A_527 : i32 to index
        %get3A_529 = arith.index_cast %add3A_499 : i32 to index
        %get3A_530 = arith.constant 80 : index
        %get3A_531 = tpu.vector_load %arg8[%get3A_528, %get3A_529, %get3A_530] {strides = array<i32>} : memref<2x128x128xf32, #tpu.memory_space<vmem>>, vector<16xf32>,
        %select_n3A_532 = arith.select %ne3A_505, %get3A_531, %get3A_526 : vector<16xi1>, vector<16xf32>
        %swap3A_533 = arith.constant 0 : i32
        %swap3A_534 = arith.index_cast %swap3A_533 : i32 to index
        %swap3A_535 = arith.index_cast %add3A_499 : i32 to index
        %swap3A_536 = arith.constant 16 : index
        %swap3A_537 = tpu.vector_load %arg9[%swap3A_534, %swap3A_535, %swap3A_536] {strides = array<i32>} : memref<2x128x64xf32, #tpu.memory_space<vmem>>, vector<16xf32>,
        tpu.vector_store %arg9[%swap3A_534, %swap3A_535, %swap3A_536], %select_n3A_532 {strides = array<i32>} : memref<2x128x64xf32, #tpu.memory_space<vmem>>, vector<16xf32>,
        %get3A_538 = arith.constant 0 : i32
        %get3A_539 = arith.index_cast %get3A_538 : i32 to index
        %get3A_540 = arith.index_cast %add3A_499 : i32 to index
        %get3A_541 = arith.constant 32 : index
        %get3A_542 = tpu.vector_load %arg8[%get3A_539, %get3A_540, %get3A_541] {strides = array<i32>} : memref<2x128x128xf32, #tpu.memory_space<vmem>>, vector<16xf32>,
        %get3A_543 = arith.constant 0 : i32
        %get3A_544 = arith.index_cast %get3A_543 : i32 to index
        %get3A_545 = arith.index_cast %add3A_499 : i32 to index
        %get3A_546 = arith.constant 96 : index
        %get3A_547 = tpu.vector_load %arg8[%get3A_544, %get3A_545, %get3A_546] {strides = array<i32>} : memref<2x128x128xf32, #tpu.memory_space<vmem>>, vector<16xf32>,
        %select_n3A_548 = arith.select %ne3A_505, %get3A_547, %get3A_542 : vector<16xi1>, vector<16xf32>
        %swap3A_549 = arith.constant 0 : i32
        %swap3A_550 = arith.index_cast %swap3A_549 : i32 to index
        %swap3A_551 = arith.index_cast %add3A_499 : i32 to index
        %swap3A_552 = arith.constant 32 : index
        %swap3A_553 = tpu.vector_load %arg9[%swap3A_550, %swap3A_551, %swap3A_552] {strides = array<i32>} : memref<2x128x64xf32, #tpu.memory_space<vmem>>, vector<16xf32>,
        tpu.vector_store %arg9[%swap3A_550, %swap3A_551, %swap3A_552], %select_n3A_548 {strides = array<i32>} : memref<2x128x64xf32, #tpu.memory_space<vmem>>, vector<16xf32>,
        %get3A_554 = arith.constant 0 : i32
        %get3A_555 = arith.index_cast %get3A_554 : i32 to index
        %get3A_556 = arith.index_cast %add3A_499 : i32 to index
        %get3A_557 = arith.constant 48 : index
        %get3A_558 = tpu.vector_load %arg8[%get3A_555, %get3A_556, %get3A_557] {strides = array<i32>} : memref<2x128x128xf32, #tpu.memory_space<vmem>>, vector<16xf32>,
        %get3A_559 = arith.constant 0 : i32
        %get3A_560 = arith.index_cast %get3A_559 : i32 to index
        %get3A_561 = arith.index_cast %add3A_499 : i32 to index
        %get3A_562 = arith.constant 112 : index
        %get3A_563 = tpu.vector_load %arg8[%get3A_560, %get3A_561, %get3A_562] {strides = array<i32>} : memref<2x128x128xf32, #tpu.memory_space<vmem>>, vector<16xf32>,
        %select_n3A_564 = arith.select %ne3A_505, %get3A_563, %get3A_558 : vector<16xi1>, vector<16xf32>
        %swap3A_565 = arith.constant 0 : i32
        %swap3A_566 = arith.index_cast %swap3A_565 : i32 to index
        %swap3A_567 = arith.index_cast %add3A_499 : i32 to index
        %swap3A_568 = arith.constant 48 : index
        %swap3A_569 = tpu.vector_load %arg9[%swap3A_566, %swap3A_567, %swap3A_568] {strides = array<i32>} : memref<2x128x64xf32, #tpu.memory_space<vmem>>, vector<16xf32>,
        tpu.vector_store %arg9[%swap3A_566, %swap3A_567, %swap3A_568], %select_n3A_564 {strides = array<i32>} : memref<2x128x64xf32, #tpu.memory_space<vmem>>, vector<16xf32>,
        %mul3A_570 = arith.constant 8 : i32
        %mul3A_571 = arith.muli %scan3A_203, %mul3A_570 : i32
        %add3A_572 = arith.constant 5 : i32
        %add3A_573 = arith.addi %mul3A_571, %add3A_572 : i32
        %get3A_574 = arith.constant 0 : i32
        %get3A_575 = arith.index_cast %get3A_574 : i32 to index
        %get3A_576 = arith.index_cast %add3A_573 : i32 to index
        %get3A_577 = arith.constant 0 : index
        %get3A_578 = tpu.vector_load %arg7[%get3A_575, %get3A_576, %get3A_577] {strides = array<i32>} : memref<2x128x16xi32, #tpu.memory_space<vmem>>, vector<16xi32>,
        %ne3A_579 = arith.cmpi ne, %get3A_578, %broadcast_in_dim3A_3 : vector<16xi32>
        %get3A_580 = arith.constant 0 : i32
        %get3A_581 = arith.index_cast %get3A_580 : i32 to index
        %get3A_582 = arith.index_cast %add3A_573 : i32 to index
        %get3A_583 = arith.constant 0 : index
        %get3A_584 = tpu.vector_load %arg8[%get3A_581, %get3A_582, %get3A_583] {strides = array<i32>} : memref<2x128x128xf32, #tpu.memory_space<vmem>>, vector<16xf32>,
        %get3A_585 = arith.constant 0 : i32
        %get3A_586 = arith.index_cast %get3A_585 : i32 to index
        %get3A_587 = arith.index_cast %add3A_573 : i32 to index
        %get3A_588 = arith.constant 64 : index
        %get3A_589 = tpu.vector_load %arg8[%get3A_586, %get3A_587, %get3A_588] {strides = array<i32>} : memref<2x128x128xf32, #tpu.memory_space<vmem>>, vector<16xf32>,
        %select_n3A_590 = arith.select %ne3A_579, %get3A_589, %get3A_584 : vector<16xi1>, vector<16xf32>
        %swap3A_591 = arith.constant 0 : i32
        %swap3A_592 = arith.index_cast %swap3A_591 : i32 to index
        %swap3A_593 = arith.index_cast %add3A_573 : i32 to index
        %swap3A_594 = arith.constant 0 : index
        %swap3A_595 = tpu.vector_load %arg9[%swap3A_592, %swap3A_593, %swap3A_594] {strides = array<i32>} : memref<2x128x64xf32, #tpu.memory_space<vmem>>, vector<16xf32>,
        tpu.vector_store %arg9[%swap3A_592, %swap3A_593, %swap3A_594], %select_n3A_590 {strides = array<i32>} : memref<2x128x64xf32, #tpu.memory_space<vmem>>, vector<16xf32>,
        %get3A_596 = arith.constant 0 : i32
        %get3A_597 = arith.index_cast %get3A_596 : i32 to index
        %get3A_598 = arith.index_cast %add3A_573 : i32 to index
        %get3A_599 = arith.constant 16 : index
        %get3A_600 = tpu.vector_load %arg8[%get3A_597, %get3A_598, %get3A_599] {strides = array<i32>} : memref<2x128x128xf32, #tpu.memory_space<vmem>>, vector<16xf32>,
        %get3A_601 = arith.constant 0 : i32
        %get3A_602 = arith.index_cast %get3A_601 : i32 to index
        %get3A_603 = arith.index_cast %add3A_573 : i32 to index
        %get3A_604 = arith.constant 80 : index
        %get3A_605 = tpu.vector_load %arg8[%get3A_602, %get3A_603, %get3A_604] {strides = array<i32>} : memref<2x128x128xf32, #tpu.memory_space<vmem>>, vector<16xf32>,
        %select_n3A_606 = arith.select %ne3A_579, %get3A_605, %get3A_600 : vector<16xi1>, vector<16xf32>
        %swap3A_607 = arith.constant 0 : i32
        %swap3A_608 = arith.index_cast %swap3A_607 : i32 to index
        %swap3A_609 = arith.index_cast %add3A_573 : i32 to index
        %swap3A_610 = arith.constant 16 : index
        %swap3A_611 = tpu.vector_load %arg9[%swap3A_608, %swap3A_609, %swap3A_610] {strides = array<i32>} : memref<2x128x64xf32, #tpu.memory_space<vmem>>, vector<16xf32>,
        tpu.vector_store %arg9[%swap3A_608, %swap3A_609, %swap3A_610], %select_n3A_606 {strides = array<i32>} : memref<2x128x64xf32, #tpu.memory_space<vmem>>, vector<16xf32>,
        %get3A_612 = arith.constant 0 : i32
        %get3A_613 = arith.index_cast %get3A_612 : i32 to index
        %get3A_614 = arith.index_cast %add3A_573 : i32 to index
        %get3A_615 = arith.constant 32 : index
        %get3A_616 = tpu.vector_load %arg8[%get3A_613, %get3A_614, %get3A_615] {strides = array<i32>} : memref<2x128x128xf32, #tpu.memory_space<vmem>>, vector<16xf32>,
        %get3A_617 = arith.constant 0 : i32
        %get3A_618 = arith.index_cast %get3A_617 : i32 to index
        %get3A_619 = arith.index_cast %add3A_573 : i32 to index
        %get3A_620 = arith.constant 96 : index
        %get3A_621 = tpu.vector_load %arg8[%get3A_618, %get3A_619, %get3A_620] {strides = array<i32>} : memref<2x128x128xf32, #tpu.memory_space<vmem>>, vector<16xf32>,
        %select_n3A_622 = arith.select %ne3A_579, %get3A_621, %get3A_616 : vector<16xi1>, vector<16xf32>
        %swap3A_623 = arith.constant 0 : i32
        %swap3A_624 = arith.index_cast %swap3A_623 : i32 to index
        %swap3A_625 = arith.index_cast %add3A_573 : i32 to index
        %swap3A_626 = arith.constant 32 : index
        %swap3A_627 = tpu.vector_load %arg9[%swap3A_624, %swap3A_625, %swap3A_626] {strides = array<i32>} : memref<2x128x64xf32, #tpu.memory_space<vmem>>, vector<16xf32>,
        tpu.vector_store %arg9[%swap3A_624, %swap3A_625, %swap3A_626], %select_n3A_622 {strides = array<i32>} : memref<2x128x64xf32, #tpu.memory_space<vmem>>, vector<16xf32>,
        %get3A_628 = arith.constant 0 : i32
        %get3A_629 = arith.index_cast %get3A_628 : i32 to index
        %get3A_630 = arith.index_cast %add3A_573 : i32 to index
        %get3A_631 = arith.constant 48 : index
        %get3A_632 = tpu.vector_load %arg8[%get3A_629, %get3A_630, %get3A_631] {strides = array<i32>} : memref<2x128x128xf32, #tpu.memory_space<vmem>>, vector<16xf32>,
        %get3A_633 = arith.constant 0 : i32
        %get3A_634 = arith.index_cast %get3A_633 : i32 to index
        %get3A_635 = arith.index_cast %add3A_573 : i32 to index
        %get3A_636 = arith.constant 112 : index
        %get3A_637 = tpu.vector_load %arg8[%get3A_634, %get3A_635, %get3A_636] {strides = array<i32>} : memref<2x128x128xf32, #tpu.memory_space<vmem>>, vector<16xf32>,
        %select_n3A_638 = arith.select %ne3A_579, %get3A_637, %get3A_632 : vector<16xi1>, vector<16xf32>
        %swap3A_639 = arith.constant 0 : i32
        %swap3A_640 = arith.index_cast %swap3A_639 : i32 to index
        %swap3A_641 = arith.index_cast %add3A_573 : i32 to index
        %swap3A_642 = arith.constant 48 : index
        %swap3A_643 = tpu.vector_load %arg9[%swap3A_640, %swap3A_641, %swap3A_642] {strides = array<i32>} : memref<2x128x64xf32, #tpu.memory_space<vmem>>, vector<16xf32>,
        tpu.vector_store %arg9[%swap3A_640, %swap3A_641, %swap3A_642], %select_n3A_638 {strides = array<i32>} : memref<2x128x64xf32, #tpu.memory_space<vmem>>, vector<16xf32>,
        %mul3A_644 = arith.constant 8 : i32
        %mul3A_645 = arith.muli %scan3A_203, %mul3A_644 : i32
        %add3A_646 = arith.constant 6 : i32
        %add3A_647 = arith.addi %mul3A_645, %add3A_646 : i32
        %get3A_648 = arith.constant 0 : i32
        %get3A_649 = arith.index_cast %get3A_648 : i32 to index
        %get3A_650 = arith.index_cast %add3A_647 : i32 to index
        %get3A_651 = arith.constant 0 : index
        %get3A_652 = tpu.vector_load %arg7[%get3A_649, %get3A_650, %get3A_651] {strides = array<i32>} : memref<2x128x16xi32, #tpu.memory_space<vmem>>, vector<16xi32>,
        %ne3A_653 = arith.cmpi ne, %get3A_652, %broadcast_in_dim3A_3 : vector<16xi32>
        %get3A_654 = arith.constant 0 : i32
        %get3A_655 = arith.index_cast %get3A_654 : i32 to index
        %get3A_656 = arith.index_cast %add3A_647 : i32 to index
        %get3A_657 = arith.constant 0 : index
        %get3A_658 = tpu.vector_load %arg8[%get3A_655, %get3A_656, %get3A_657] {strides = array<i32>} : memref<2x128x128xf32, #tpu.memory_space<vmem>>, vector<16xf32>,
        %get3A_659 = arith.constant 0 : i32
        %get3A_660 = arith.index_cast %get3A_659 : i32 to index
        %get3A_661 = arith.index_cast %add3A_647 : i32 to index
        %get3A_662 = arith.constant 64 : index
        %get3A_663 = tpu.vector_load %arg8[%get3A_660, %get3A_661, %get3A_662] {strides = array<i32>} : memref<2x128x128xf32, #tpu.memory_space<vmem>>, vector<16xf32>,
        %select_n3A_664 = arith.select %ne3A_653, %get3A_663, %get3A_658 : vector<16xi1>, vector<16xf32>
        %swap3A_665 = arith.constant 0 : i32
        %swap3A_666 = arith.index_cast %swap3A_665 : i32 to index
        %swap3A_667 = arith.index_cast %add3A_647 : i32 to index
        %swap3A_668 = arith.constant 0 : index
        %swap3A_669 = tpu.vector_load %arg9[%swap3A_666, %swap3A_667, %swap3A_668] {strides = array<i32>} : memref<2x128x64xf32, #tpu.memory_space<vmem>>, vector<16xf32>,
        tpu.vector_store %arg9[%swap3A_666, %swap3A_667, %swap3A_668], %select_n3A_664 {strides = array<i32>} : memref<2x128x64xf32, #tpu.memory_space<vmem>>, vector<16xf32>,
        %get3A_670 = arith.constant 0 : i32
        %get3A_671 = arith.index_cast %get3A_670 : i32 to index
        %get3A_672 = arith.index_cast %add3A_647 : i32 to index
        %get3A_673 = arith.constant 16 : index
        %get3A_674 = tpu.vector_load %arg8[%get3A_671, %get3A_672, %get3A_673] {strides = array<i32>} : memref<2x128x128xf32, #tpu.memory_space<vmem>>, vector<16xf32>,
        %get3A_675 = arith.constant 0 : i32
        %get3A_676 = arith.index_cast %get3A_675 : i32 to index
        %get3A_677 = arith.index_cast %add3A_647 : i32 to index
        %get3A_678 = arith.constant 80 : index
        %get3A_679 = tpu.vector_load %arg8[%get3A_676, %get3A_677, %get3A_678] {strides = array<i32>} : memref<2x128x128xf32, #tpu.memory_space<vmem>>, vector<16xf32>,
        %select_n3A_680 = arith.select %ne3A_653, %get3A_679, %get3A_674 : vector<16xi1>, vector<16xf32>
        %swap3A_681 = arith.constant 0 : i32
        %swap3A_682 = arith.index_cast %swap3A_681 : i32 to index
        %swap3A_683 = arith.index_cast %add3A_647 : i32 to index
        %swap3A_684 = arith.constant 16 : index
        %swap3A_685 = tpu.vector_load %arg9[%swap3A_682, %swap3A_683, %swap3A_684] {strides = array<i32>} : memref<2x128x64xf32, #tpu.memory_space<vmem>>, vector<16xf32>,
        tpu.vector_store %arg9[%swap3A_682, %swap3A_683, %swap3A_684], %select_n3A_680 {strides = array<i32>} : memref<2x128x64xf32, #tpu.memory_space<vmem>>, vector<16xf32>,
        %get3A_686 = arith.constant 0 : i32
        %get3A_687 = arith.index_cast %get3A_686 : i32 to index
        %get3A_688 = arith.index_cast %add3A_647 : i32 to index
        %get3A_689 = arith.constant 32 : index
        %get3A_690 = tpu.vector_load %arg8[%get3A_687, %get3A_688, %get3A_689] {strides = array<i32>} : memref<2x128x128xf32, #tpu.memory_space<vmem>>, vector<16xf32>,
        %get3A_691 = arith.constant 0 : i32
        %get3A_692 = arith.index_cast %get3A_691 : i32 to index
        %get3A_693 = arith.index_cast %add3A_647 : i32 to index
        %get3A_694 = arith.constant 96 : index
        %get3A_695 = tpu.vector_load %arg8[%get3A_692, %get3A_693, %get3A_694] {strides = array<i32>} : memref<2x128x128xf32, #tpu.memory_space<vmem>>, vector<16xf32>,
        %select_n3A_696 = arith.select %ne3A_653, %get3A_695, %get3A_690 : vector<16xi1>, vector<16xf32>
        %swap3A_697 = arith.constant 0 : i32
        %swap3A_698 = arith.index_cast %swap3A_697 : i32 to index
        %swap3A_699 = arith.index_cast %add3A_647 : i32 to index
        %swap3A_700 = arith.constant 32 : index
        %swap3A_701 = tpu.vector_load %arg9[%swap3A_698, %swap3A_699, %swap3A_700] {strides = array<i32>} : memref<2x128x64xf32, #tpu.memory_space<vmem>>, vector<16xf32>,
        tpu.vector_store %arg9[%swap3A_698, %swap3A_699, %swap3A_700], %select_n3A_696 {strides = array<i32>} : memref<2x128x64xf32, #tpu.memory_space<vmem>>, vector<16xf32>,
        %get3A_702 = arith.constant 0 : i32
        %get3A_703 = arith.index_cast %get3A_702 : i32 to index
        %get3A_704 = arith.index_cast %add3A_647 : i32 to index
        %get3A_705 = arith.constant 48 : index
        %get3A_706 = tpu.vector_load %arg8[%get3A_703, %get3A_704, %get3A_705] {strides = array<i32>} : memref<2x128x128xf32, #tpu.memory_space<vmem>>, vector<16xf32>,
        %get3A_707 = arith.constant 0 : i32
        %get3A_708 = arith.index_cast %get3A_707 : i32 to index
        %get3A_709 = arith.index_cast %add3A_647 : i32 to index
        %get3A_710 = arith.constant 112 : index
        %get3A_711 = tpu.vector_load %arg8[%get3A_708, %get3A_709, %get3A_710] {strides = array<i32>} : memref<2x128x128xf32, #tpu.memory_space<vmem>>, vector<16xf32>,
        %select_n3A_712 = arith.select %ne3A_653, %get3A_711, %get3A_706 : vector<16xi1>, vector<16xf32>
        %swap3A_713 = arith.constant 0 : i32
        %swap3A_714 = arith.index_cast %swap3A_713 : i32 to index
        %swap3A_715 = arith.index_cast %add3A_647 : i32 to index
        %swap3A_716 = arith.constant 48 : index
        %swap3A_717 = tpu.vector_load %arg9[%swap3A_714, %swap3A_715, %swap3A_716] {strides = array<i32>} : memref<2x128x64xf32, #tpu.memory_space<vmem>>, vector<16xf32>,
        tpu.vector_store %arg9[%swap3A_714, %swap3A_715, %swap3A_716], %select_n3A_712 {strides = array<i32>} : memref<2x128x64xf32, #tpu.memory_space<vmem>>, vector<16xf32>,
        %mul3A_718 = arith.constant 8 : i32
        %mul3A_719 = arith.muli %scan3A_203, %mul3A_718 : i32
        %add3A_720 = arith.constant 7 : i32
        %add3A_721 = arith.addi %mul3A_719, %add3A_720 : i32
        %get3A_722 = arith.constant 0 : i32
        %get3A_723 = arith.index_cast %get3A_722 : i32 to index
        %get3A_724 = arith.index_cast %add3A_721 : i32 to index
        %get3A_725 = arith.constant 0 : index
        %get3A_726 = tpu.vector_load %arg7[%get3A_723, %get3A_724, %get3A_725] {strides = array<i32>} : memref<2x128x16xi32, #tpu.memory_space<vmem>>, vector<16xi32>,
        %ne3A_727 = arith.cmpi ne, %get3A_726, %broadcast_in_dim3A_3 : vector<16xi32>
        %get3A_728 = arith.constant 0 : i32
        %get3A_729 = arith.index_cast %get3A_728 : i32 to index
        %get3A_730 = arith.index_cast %add3A_721 : i32 to index
        %get3A_731 = arith.constant 0 : index
        %get3A_732 = tpu.vector_load %arg8[%get3A_729, %get3A_730, %get3A_731] {strides = array<i32>} : memref<2x128x128xf32, #tpu.memory_space<vmem>>, vector<16xf32>,
        %get3A_733 = arith.constant 0 : i32
        %get3A_734 = arith.index_cast %get3A_733 : i32 to index
        %get3A_735 = arith.index_cast %add3A_721 : i32 to index
        %get3A_736 = arith.constant 64 : index
        %get3A_737 = tpu.vector_load %arg8[%get3A_734, %get3A_735, %get3A_736] {strides = array<i32>} : memref<2x128x128xf32, #tpu.memory_space<vmem>>, vector<16xf32>,
        %select_n3A_738 = arith.select %ne3A_727, %get3A_737, %get3A_732 : vector<16xi1>, vector<16xf32>
        %swap3A_739 = arith.constant 0 : i32
        %swap3A_740 = arith.index_cast %swap3A_739 : i32 to index
        %swap3A_741 = arith.index_cast %add3A_721 : i32 to index
        %swap3A_742 = arith.constant 0 : index
        %swap3A_743 = tpu.vector_load %arg9[%swap3A_740, %swap3A_741, %swap3A_742] {strides = array<i32>} : memref<2x128x64xf32, #tpu.memory_space<vmem>>, vector<16xf32>,
        tpu.vector_store %arg9[%swap3A_740, %swap3A_741, %swap3A_742], %select_n3A_738 {strides = array<i32>} : memref<2x128x64xf32, #tpu.memory_space<vmem>>, vector<16xf32>,
        %get3A_744 = arith.constant 0 : i32
        %get3A_745 = arith.index_cast %get3A_744 : i32 to index
        %get3A_746 = arith.index_cast %add3A_721 : i32 to index
        %get3A_747 = arith.constant 16 : index
        %get3A_748 = tpu.vector_load %arg8[%get3A_745, %get3A_746, %get3A_747] {strides = array<i32>} : memref<2x128x128xf32, #tpu.memory_space<vmem>>, vector<16xf32>,
        %get3A_749 = arith.constant 0 : i32
        %get3A_750 = arith.index_cast %get3A_749 : i32 to index
        %get3A_751 = arith.index_cast %add3A_721 : i32 to index
        %get3A_752 = arith.constant 80 : index
        %get3A_753 = tpu.vector_load %arg8[%get3A_750, %get3A_751, %get3A_752] {strides = array<i32>} : memref<2x128x128xf32, #tpu.memory_space<vmem>>, vector<16xf32>,
        %select_n3A_754 = arith.select %ne3A_727, %get3A_753, %get3A_748 : vector<16xi1>, vector<16xf32>
        %swap3A_755 = arith.constant 0 : i32
        %swap3A_756 = arith.index_cast %swap3A_755 : i32 to index
        %swap3A_757 = arith.index_cast %add3A_721 : i32 to index
        %swap3A_758 = arith.constant 16 : index
        %swap3A_759 = tpu.vector_load %arg9[%swap3A_756, %swap3A_757, %swap3A_758] {strides = array<i32>} : memref<2x128x64xf32, #tpu.memory_space<vmem>>, vector<16xf32>,
        tpu.vector_store %arg9[%swap3A_756, %swap3A_757, %swap3A_758], %select_n3A_754 {strides = array<i32>} : memref<2x128x64xf32, #tpu.memory_space<vmem>>, vector<16xf32>,
        %get3A_760 = arith.constant 0 : i32
        %get3A_761 = arith.index_cast %get3A_760 : i32 to index
        %get3A_762 = arith.index_cast %add3A_721 : i32 to index
        %get3A_763 = arith.constant 32 : index
        %get3A_764 = tpu.vector_load %arg8[%get3A_761, %get3A_762, %get3A_763] {strides = array<i32>} : memref<2x128x128xf32, #tpu.memory_space<vmem>>, vector<16xf32>,
        %get3A_765 = arith.constant 0 : i32
        %get3A_766 = arith.index_cast %get3A_765 : i32 to index
        %get3A_767 = arith.index_cast %add3A_721 : i32 to index
        %get3A_768 = arith.constant 96 : index
        %get3A_769 = tpu.vector_load %arg8[%get3A_766, %get3A_767, %get3A_768] {strides = array<i32>} : memref<2x128x128xf32, #tpu.memory_space<vmem>>, vector<16xf32>,
        %select_n3A_770 = arith.select %ne3A_727, %get3A_769, %get3A_764 : vector<16xi1>, vector<16xf32>
        %swap3A_771 = arith.constant 0 : i32
        %swap3A_772 = arith.index_cast %swap3A_771 : i32 to index
        %swap3A_773 = arith.index_cast %add3A_721 : i32 to index
        %swap3A_774 = arith.constant 32 : index
        %swap3A_775 = tpu.vector_load %arg9[%swap3A_772, %swap3A_773, %swap3A_774] {strides = array<i32>} : memref<2x128x64xf32, #tpu.memory_space<vmem>>, vector<16xf32>,
        tpu.vector_store %arg9[%swap3A_772, %swap3A_773, %swap3A_774], %select_n3A_770 {strides = array<i32>} : memref<2x128x64xf32, #tpu.memory_space<vmem>>, vector<16xf32>,
        %get3A_776 = arith.constant 0 : i32
        %get3A_777 = arith.index_cast %get3A_776 : i32 to index
        %get3A_778 = arith.index_cast %add3A_721 : i32 to index
        %get3A_779 = arith.constant 48 : index
        %get3A_780 = tpu.vector_load %arg8[%get3A_777, %get3A_778, %get3A_779] {strides = array<i32>} : memref<2x128x128xf32, #tpu.memory_space<vmem>>, vector<16xf32>,
        %get3A_781 = arith.constant 0 : i32
        %get3A_782 = arith.index_cast %get3A_781 : i32 to index
        %get3A_783 = arith.index_cast %add3A_721 : i32 to index
        %get3A_784 = arith.constant 112 : index
        %get3A_785 = tpu.vector_load %arg8[%get3A_782, %get3A_783, %get3A_784] {strides = array<i32>} : memref<2x128x128xf32, #tpu.memory_space<vmem>>, vector<16xf32>,
        %select_n3A_786 = arith.select %ne3A_727, %get3A_785, %get3A_780 : vector<16xi1>, vector<16xf32>
        %swap3A_787 = arith.constant 0 : i32
        %swap3A_788 = arith.index_cast %swap3A_787 : i32 to index
        %swap3A_789 = arith.index_cast %add3A_721 : i32 to index
        %swap3A_790 = arith.constant 48 : index
        %swap3A_791 = tpu.vector_load %arg9[%swap3A_788, %swap3A_789, %swap3A_790] {strides = array<i32>} : memref<2x128x64xf32, #tpu.memory_space<vmem>>, vector<16xf32>,
        tpu.vector_store %arg9[%swap3A_788, %swap3A_789, %swap3A_790], %select_n3A_786 {strides = array<i32>} : memref<2x128x64xf32, #tpu.memory_space<vmem>>, vector<16xf32>,
      }
      %scan3A_115 = arith.constant 16 : i32
      %mul3A_116 = arith.constant 128 : i32
      %mul3A_117 = arith.muli %add3A_72, %mul3A_116 : i32
      %add3A_118 = arith.addi %mul3A_2, %mul3A_117 : i32
      %dma_start3A_119 = arith.constant 0 : i32
      %dma_start3A_120 = arith.constant 0 : i32
      %dma_start3A_121 = arith.constant 0 : i32
      %dma_start3A_122 = tpu.memref_slice %arg9[%dma_start3A_119, %dma_start3A_120, %dma_start3A_121] : memref<2x128x64xf32, #tpu.memory_space<vmem>> -> memref<1x128x64xf32, #tpu.memory_space<vmem>>
      %dma_start3A_123 = tpu.memref_squeeze %dma_start3A_122 : memref<1x128x64xf32, #tpu.memory_space<vmem>> -> memref<128x64xf32, #tpu.memory_space<vmem>>
      %dma_start3A_124 = tpu.memref_reshape %arg5 : memref<4096x200x64xf32, #tpu.memory_space<hbm>> -> memref<819200x64xf32, #tpu.memory_space<hbm>>
      %dma_start3A_125 = arith.constant 0 : i32
      %dma_start3A_126 = tpu.memref_slice %dma_start3A_124[%add3A_118, %dma_start3A_125] : memref<819200x64xf32, #tpu.memory_space<hbm>> -> memref<128x64xf32, #tpu.memory_space<hbm>>
      %dma_start3A_127 = tpu.memref_reshape %arg5 : memref<4096x200x64xf32, #tpu.memory_space<hbm>> -> memref<819200x64xf32, #tpu.memory_space<hbm>>
      %dma_start3A_128 = arith.constant 0 : i32
      %dma_start3A_129 = tpu.memref_slice %dma_start3A_127[%add3A_118, %dma_start3A_128] : memref<819200x64xf32, #tpu.memory_space<hbm>> -> memref<128x64xf32, #tpu.memory_space<hbm>>
      %dma_start3A_130 = arith.constant 0 : i32
      %dma_start3A_131 = arith.constant 0 : i32
      %dma_start3A_132 = tpu.memref_slice %arg9[%dma_start3A_119, %dma_start3A_130, %dma_start3A_131] : memref<2x128x64xf32, #tpu.memory_space<vmem>> -> memref<1x128x64xf32, #tpu.memory_space<vmem>>
      %dma_start3A_133 = tpu.memref_squeeze %dma_start3A_132 : memref<1x128x64xf32, #tpu.memory_space<vmem>> -> memref<128x64xf32, #tpu.memory_space<vmem>>
      tpu.enqueue_dma source(%dma_start3A_133 : memref<128x64xf32, #tpu.memory_space<vmem>>) target(%dma_start3A_129 : memref<128x64xf32, #tpu.memory_space<hbm>>) target_semaphore(%arg14 : memref<!tpu.dma_semaphore, #tpu.memory_space<semaphore_mem>>)
      %mul3A_134 = arith.constant 2 : i32
      %mul3A_135 = arith.muli %mul3A_134, %scan3A_68 : i32
      %add3A_136 = arith.constant 1 : i32
      %add3A_137 = arith.addi %mul3A_135, %add3A_136 : i32
      %add3A_138 = arith.constant 1 : i32
      %add3A_139 = arith.addi %add3A_137, %add3A_138 : i32
      %lt3A_140 = arith.constant 200 : i32
      %lt3A_141 = arith.cmpi slt, %add3A_139, %lt3A_140 : i32
      %convert_element_type3A_142 = arith.extui %lt3A_141 : i1 to i32
      %cond3A_143 = arith.constant 0 : i32
      %cond3A_144 = arith.cmpi ne, %convert_element_type3A_142, %cond3A_143 : i32
      scf.if %cond3A_144 {
        %add3A_203 = arith.constant 1 : i32
        %add3A_204 = arith.addi %add3A_137, %add3A_203 : i32
        %mul3A_205 = arith.constant 128 : i32
        %mul3A_206 = arith.muli %add3A_204, %mul3A_205 : i32
        %dma_start3A_207 = arith.constant 0 : i32
        %dma_start3A_208 = arith.constant 0 : i32
        %dma_start3A_209 = arith.constant 0 : i32
        %dma_start3A_210 = tpu.memref_slice %arg8[%dma_start3A_207, %dma_start3A_208, %dma_start3A_209] : memref<2x128x128xf32, #tpu.memory_space<vmem>> -> memref<1x128x128xf32, #tpu.memory_space<vmem>>
        %dma_start3A_211 = tpu.memref_squeeze %dma_start3A_210 : memref<1x128x128xf32, #tpu.memory_space<vmem>> -> memref<128x128xf32, #tpu.memory_space<vmem>>
        %dma_start3A_212 = tpu.memref_slice %arg6[%mul3A_206] : memref<25600xi32, #tpu.memory_space<vmem>> -> memref<128xi32, #tpu.memory_space<vmem>>
        %dma_start3A_213 = arith.constant 0 : i32
        %dma_start3A_214 = arith.constant 0 : i32
        %dma_start3A_215 = tpu.memref_slice %arg2[%dma_start3A_213, %dma_start3A_214] : memref<500000x128xf32, #tpu.memory_space<hbm>> -> memref<500000x128xf32, #tpu.memory_space<hbm>>
        tpu.enqueue_indirect_dma source(%dma_start3A_215 : memref<500000x128xf32, #tpu.memory_space<hbm>>) target(%dma_start3A_211 : memref<128x128xf32, #tpu.memory_space<vmem>>) offsets(%dma_start3A_212 : memref<128xi32, #tpu.memory_space<vmem>>) semaphore(%arg10 : memref<!tpu.dma_semaphore, #tpu.memory_space<semaphore_mem>>)
        %mul3A_216 = arith.constant 128 : i32
        %mul3A_217 = arith.muli %add3A_204, %mul3A_216 : i32
        %add3A_218 = arith.addi %mul3A_2, %mul3A_217 : i32
        %dma_start3A_219 = arith.constant 0 : i32
        %dma_start3A_220 = arith.constant 0 : i32
        %dma_start3A_221 = arith.constant 0 : i32
        %dma_start3A_222 = tpu.memref_slice %arg7[%dma_start3A_219, %dma_start3A_220, %dma_start3A_221] : memref<2x128x16xi32, #tpu.memory_space<vmem>> -> memref<1x128x16xi32, #tpu.memory_space<vmem>>
        %dma_start3A_223 = tpu.memref_squeeze %dma_start3A_222 : memref<1x128x16xi32, #tpu.memory_space<vmem>> -> memref<128x16xi32, #tpu.memory_space<vmem>>
        %dma_start3A_224 = tpu.memref_reshape %arg4 : memref<819200x16xi32, #tpu.memory_space<hbm>> -> memref<819200x16xi32, #tpu.memory_space<hbm>>
        %dma_start3A_225 = arith.constant 0 : i32
        %dma_start3A_226 = tpu.memref_slice %dma_start3A_224[%add3A_218, %dma_start3A_225] : memref<819200x16xi32, #tpu.memory_space<hbm>> -> memref<128x16xi32, #tpu.memory_space<hbm>>
        %dma_start3A_227 = arith.constant 0 : i32
        %dma_start3A_228 = arith.constant 0 : i32
        %dma_start3A_229 = tpu.memref_slice %arg7[%dma_start3A_219, %dma_start3A_227, %dma_start3A_228] : memref<2x128x16xi32, #tpu.memory_space<vmem>> -> memref<1x128x16xi32, #tpu.memory_space<vmem>>
        %dma_start3A_230 = tpu.memref_squeeze %dma_start3A_229 : memref<1x128x16xi32, #tpu.memory_space<vmem>> -> memref<128x16xi32, #tpu.memory_space<vmem>>
        %dma_start3A_231 = tpu.memref_reshape %arg4 : memref<819200x16xi32, #tpu.memory_space<hbm>> -> memref<819200x16xi32, #tpu.memory_space<hbm>>
        %dma_start3A_232 = arith.constant 0 : i32
        %dma_start3A_233 = tpu.memref_slice %dma_start3A_231[%add3A_218, %dma_start3A_232] : memref<819200x16xi32, #tpu.memory_space<hbm>> -> memref<128x16xi32, #tpu.memory_space<hbm>>
        tpu.enqueue_dma source(%dma_start3A_233 : memref<128x16xi32, #tpu.memory_space<hbm>>) target(%dma_start3A_230 : memref<128x16xi32, #tpu.memory_space<vmem>>) target_semaphore(%arg12 : memref<!tpu.dma_semaphore, #tpu.memory_space<semaphore_mem>>)
      } else {
      }
      %mul3A_145 = arith.constant 128 : i32
      %mul3A_146 = arith.muli %add3A_137, %mul3A_145 : i32
      %dma_wait3A_147 = arith.constant 1 : i32
      %dma_wait3A_148 = arith.constant 0 : i32
      %dma_wait3A_149 = arith.constant 0 : i32
      %dma_wait3A_150 = tpu.memref_slice %arg8[%dma_wait3A_147, %dma_wait3A_148, %dma_wait3A_149] : memref<2x128x128xf32, #tpu.memory_space<vmem>> -> memref<1x128x128xf32, #tpu.memory_space<vmem>>
      %dma_wait3A_151 = tpu.memref_squeeze %dma_wait3A_150 : memref<1x128x128xf32, #tpu.memory_space<vmem>> -> memref<128x128xf32, #tpu.memory_space<vmem>>
      %dma_wait3A_152 = tpu.memref_slice %arg6[%mul3A_146] : memref<25600xi32, #tpu.memory_space<vmem>> -> memref<128xi32, #tpu.memory_space<vmem>>
      %dma_wait3A_153 = arith.constant 0 : i32
      %dma_wait3A_154 = arith.constant 0 : i32
      %dma_wait3A_155 = tpu.memref_slice %arg2[%dma_wait3A_153, %dma_wait3A_154] : memref<500000x128xf32, #tpu.memory_space<hbm>> -> memref<500000x128xf32, #tpu.memory_space<hbm>>
      tpu.wait_indirect_dma semaphore(%arg11 : memref<!tpu.dma_semaphore, #tpu.memory_space<semaphore_mem>>) src(%dma_wait3A_155 : memref<500000x128xf32, #tpu.memory_space<hbm>>) dst(%dma_wait3A_151 : memref<128x128xf32, #tpu.memory_space<vmem>>)
      %mul3A_156 = arith.constant 128 : i32
      %mul3A_157 = arith.muli %add3A_137, %mul3A_156 : i32
      %add3A_158 = arith.addi %mul3A_2, %mul3A_157 : i32
      %dma_wait3A_159 = arith.constant 1 : i32
      %dma_wait3A_160 = arith.constant 0 : i32
      %dma_wait3A_161 = arith.constant 0 : i32
      %dma_wait3A_162 = tpu.memref_slice %arg7[%dma_wait3A_159, %dma_wait3A_160, %dma_wait3A_161] : memref<2x128x16xi32, #tpu.memory_space<vmem>> -> memref<1x128x16xi32, #tpu.memory_space<vmem>>
      %dma_wait3A_163 = tpu.memref_squeeze %dma_wait3A_162 : memref<1x128x16xi32, #tpu.memory_space<vmem>> -> memref<128x16xi32, #tpu.memory_space<vmem>>
      %dma_wait3A_164 = tpu.memref_reshape %arg4 : memref<819200x16xi32, #tpu.memory_space<hbm>> -> memref<819200x16xi32, #tpu.memory_space<hbm>>
      %dma_wait3A_165 = arith.constant 0 : i32
      %dma_wait3A_166 = tpu.memref_slice %dma_wait3A_164[%add3A_158, %dma_wait3A_165] : memref<819200x16xi32, #tpu.memory_space<hbm>> -> memref<128x16xi32, #tpu.memory_space<hbm>>
      %dma_wait3A_167 = arith.constant 0 : i32
      %dma_wait3A_168 = arith.constant 0 : i32
      %dma_wait3A_169 = tpu.memref_slice %arg7[%dma_wait3A_159, %dma_wait3A_167, %dma_wait3A_168] : memref<2x128x16xi32, #tpu.memory_space<vmem>> -> memref<1x128x16xi32, #tpu.memory_space<vmem>>
      %dma_wait3A_170 = tpu.memref_squeeze %dma_wait3A_169 : memref<1x128x16xi32, #tpu.memory_space<vmem>> -> memref<128x16xi32, #tpu.memory_space<vmem>>
      %dma_wait3A_171 = tpu.memref_reshape %arg4 : memref<819200x16xi32, #tpu.memory_space<hbm>> -> memref<819200x16xi32, #tpu.memory_space<hbm>>
      %dma_wait3A_172 = arith.constant 0 : i32
      %dma_wait3A_173 = tpu.memref_slice %dma_wait3A_171[%add3A_158, %dma_wait3A_172] : memref<819200x16xi32, #tpu.memory_space<hbm>> -> memref<128x16xi32, #tpu.memory_space<hbm>>
      tpu.wait_dma2 semaphore(%arg13 : memref<!tpu.dma_semaphore, #tpu.memory_space<semaphore_mem>>) src(%dma_wait3A_173 : memref<128x16xi32, #tpu.memory_space<hbm>>) dst(%dma_wait3A_170 : memref<128x16xi32, #tpu.memory_space<vmem>>)
      %ge3A_174 = arith.constant 2 : i32
      %ge3A_175 = arith.cmpi sge, %add3A_137, %ge3A_174 : i32
      %convert_element_type3A_176 = arith.extui %ge3A_175 : i1 to i32
      %cond3A_177 = arith.constant 0 : i32
      %cond3A_178 = arith.cmpi ne, %convert_element_type3A_176, %cond3A_177 : i32
      scf.if %cond3A_178 {
        %sub3A = arith.constant 2 : i32
        %sub3A_203 = arith.subi %add3A_137, %sub3A : i32
        %mul3A_204 = arith.constant 128 : i32
        %mul3A_205 = arith.muli %sub3A_203, %mul3A_204 : i32
        %add3A_206 = arith.addi %mul3A_2, %mul3A_205 : i32
        %dma_wait3A_207 = arith.constant 1 : i32
        %dma_wait3A_208 = arith.constant 0 : i32
        %dma_wait3A_209 = arith.constant 0 : i32
        %dma_wait3A_210 = tpu.memref_slice %arg9[%dma_wait3A_207, %dma_wait3A_208, %dma_wait3A_209] : memref<2x128x64xf32, #tpu.memory_space<vmem>> -> memref<1x128x64xf32, #tpu.memory_space<vmem>>
        %dma_wait3A_211 = tpu.memref_squeeze %dma_wait3A_210 : memref<1x128x64xf32, #tpu.memory_space<vmem>> -> memref<128x64xf32, #tpu.memory_space<vmem>>
        %dma_wait3A_212 = tpu.memref_reshape %arg5 : memref<4096x200x64xf32, #tpu.memory_space<hbm>> -> memref<819200x64xf32, #tpu.memory_space<hbm>>
        %dma_wait3A_213 = arith.constant 0 : i32
        %dma_wait3A_214 = tpu.memref_slice %dma_wait3A_212[%add3A_206, %dma_wait3A_213] : memref<819200x64xf32, #tpu.memory_space<hbm>> -> memref<128x64xf32, #tpu.memory_space<hbm>>
        %dma_wait3A_215 = tpu.memref_reshape %arg5 : memref<4096x200x64xf32, #tpu.memory_space<hbm>> -> memref<819200x64xf32, #tpu.memory_space<hbm>>
        %dma_wait3A_216 = arith.constant 0 : i32
        %dma_wait3A_217 = tpu.memref_slice %dma_wait3A_215[%add3A_206, %dma_wait3A_216] : memref<819200x64xf32, #tpu.memory_space<hbm>> -> memref<128x64xf32, #tpu.memory_space<hbm>>
        %dma_wait3A_218 = arith.constant 0 : i32
        %dma_wait3A_219 = arith.constant 0 : i32
        %dma_wait3A_220 = tpu.memref_slice %arg9[%dma_wait3A_207, %dma_wait3A_218, %dma_wait3A_219] : memref<2x128x64xf32, #tpu.memory_space<vmem>> -> memref<1x128x64xf32, #tpu.memory_space<vmem>>
        %dma_wait3A_221 = tpu.memref_squeeze %dma_wait3A_220 : memref<1x128x64xf32, #tpu.memory_space<vmem>> -> memref<128x64xf32, #tpu.memory_space<vmem>>
        tpu.wait_dma2 semaphore(%arg15 : memref<!tpu.dma_semaphore, #tpu.memory_space<semaphore_mem>>) src(%dma_wait3A_221 : memref<128x64xf32, #tpu.memory_space<vmem>>) dst(%dma_wait3A_217 : memref<128x64xf32, #tpu.memory_space<hbm>>)
      } else {
      }
      %scan3A_179 = arith.constant 0 : i32
      %scan3A_180 = arith.constant 0 : i32
      %scan3A_181 = arith.constant 16 : i32
      %scan3A_182 = arith.addi %scan3A_180, %scan3A_181 : i32
      %scan3A_183 = arith.constant 1 : i32
      scf.for %scan3A_203 = %scan3A_180 to %scan3A_182 step %scan3A_183  : i32 {
        %mul3A_204 = arith.constant 8 : i32
        %mul3A_205 = arith.muli %scan3A_203, %mul3A_204 : i32
        %add3A_206 = arith.constant 0 : i32
        %add3A_207 = arith.addi %mul3A_205, %add3A_206 : i32
        %get3A = arith.constant 1 : i32
        %get3A_208 = arith.index_cast %get3A : i32 to index
        %get3A_209 = arith.index_cast %add3A_207 : i32 to index
        %get3A_210 = arith.constant 0 : index
        %get3A_211 = tpu.vector_load %arg7[%get3A_208, %get3A_209, %get3A_210] {strides = array<i32>} : memref<2x128x16xi32, #tpu.memory_space<vmem>>, vector<16xi32>,
        %ne3A = arith.cmpi ne, %get3A_211, %broadcast_in_dim3A_3 : vector<16xi32>
        %get3A_212 = arith.constant 1 : i32
        %get3A_213 = arith.index_cast %get3A_212 : i32 to index
        %get3A_214 = arith.index_cast %add3A_207 : i32 to index
        %get3A_215 = arith.constant 0 : index
        %get3A_216 = tpu.vector_load %arg8[%get3A_213, %get3A_214, %get3A_215] {strides = array<i32>} : memref<2x128x128xf32, #tpu.memory_space<vmem>>, vector<16xf32>,
        %get3A_217 = arith.constant 1 : i32
        %get3A_218 = arith.index_cast %get3A_217 : i32 to index
        %get3A_219 = arith.index_cast %add3A_207 : i32 to index
        %get3A_220 = arith.constant 64 : index
        %get3A_221 = tpu.vector_load %arg8[%get3A_218, %get3A_219, %get3A_220] {strides = array<i32>} : memref<2x128x128xf32, #tpu.memory_space<vmem>>, vector<16xf32>,
        %select_n3A = arith.select %ne3A, %get3A_221, %get3A_216 : vector<16xi1>, vector<16xf32>
        %swap3A = arith.constant 1 : i32
        %swap3A_222 = arith.index_cast %swap3A : i32 to index
        %swap3A_223 = arith.index_cast %add3A_207 : i32 to index
        %swap3A_224 = arith.constant 0 : index
        %swap3A_225 = tpu.vector_load %arg9[%swap3A_222, %swap3A_223, %swap3A_224] {strides = array<i32>} : memref<2x128x64xf32, #tpu.memory_space<vmem>>, vector<16xf32>,
        tpu.vector_store %arg9[%swap3A_222, %swap3A_223, %swap3A_224], %select_n3A {strides = array<i32>} : memref<2x128x64xf32, #tpu.memory_space<vmem>>, vector<16xf32>,
        %get3A_226 = arith.constant 1 : i32
        %get3A_227 = arith.index_cast %get3A_226 : i32 to index
        %get3A_228 = arith.index_cast %add3A_207 : i32 to index
        %get3A_229 = arith.constant 16 : index
        %get3A_230 = tpu.vector_load %arg8[%get3A_227, %get3A_228, %get3A_229] {strides = array<i32>} : memref<2x128x128xf32, #tpu.memory_space<vmem>>, vector<16xf32>,
        %get3A_231 = arith.constant 1 : i32
        %get3A_232 = arith.index_cast %get3A_231 : i32 to index
        %get3A_233 = arith.index_cast %add3A_207 : i32 to index
        %get3A_234 = arith.constant 80 : index
        %get3A_235 = tpu.vector_load %arg8[%get3A_232, %get3A_233, %get3A_234] {strides = array<i32>} : memref<2x128x128xf32, #tpu.memory_space<vmem>>, vector<16xf32>,
        %select_n3A_236 = arith.select %ne3A, %get3A_235, %get3A_230 : vector<16xi1>, vector<16xf32>
        %swap3A_237 = arith.constant 1 : i32
        %swap3A_238 = arith.index_cast %swap3A_237 : i32 to index
        %swap3A_239 = arith.index_cast %add3A_207 : i32 to index
        %swap3A_240 = arith.constant 16 : index
        %swap3A_241 = tpu.vector_load %arg9[%swap3A_238, %swap3A_239, %swap3A_240] {strides = array<i32>} : memref<2x128x64xf32, #tpu.memory_space<vmem>>, vector<16xf32>,
        tpu.vector_store %arg9[%swap3A_238, %swap3A_239, %swap3A_240], %select_n3A_236 {strides = array<i32>} : memref<2x128x64xf32, #tpu.memory_space<vmem>>, vector<16xf32>,
        %get3A_242 = arith.constant 1 : i32
        %get3A_243 = arith.index_cast %get3A_242 : i32 to index
        %get3A_244 = arith.index_cast %add3A_207 : i32 to index
        %get3A_245 = arith.constant 32 : index
        %get3A_246 = tpu.vector_load %arg8[%get3A_243, %get3A_244, %get3A_245] {strides = array<i32>} : memref<2x128x128xf32, #tpu.memory_space<vmem>>, vector<16xf32>,
        %get3A_247 = arith.constant 1 : i32
        %get3A_248 = arith.index_cast %get3A_247 : i32 to index
        %get3A_249 = arith.index_cast %add3A_207 : i32 to index
        %get3A_250 = arith.constant 96 : index
        %get3A_251 = tpu.vector_load %arg8[%get3A_248, %get3A_249, %get3A_250] {strides = array<i32>} : memref<2x128x128xf32, #tpu.memory_space<vmem>>, vector<16xf32>,
        %select_n3A_252 = arith.select %ne3A, %get3A_251, %get3A_246 : vector<16xi1>, vector<16xf32>
        %swap3A_253 = arith.constant 1 : i32
        %swap3A_254 = arith.index_cast %swap3A_253 : i32 to index
        %swap3A_255 = arith.index_cast %add3A_207 : i32 to index
        %swap3A_256 = arith.constant 32 : index
        %swap3A_257 = tpu.vector_load %arg9[%swap3A_254, %swap3A_255, %swap3A_256] {strides = array<i32>} : memref<2x128x64xf32, #tpu.memory_space<vmem>>, vector<16xf32>,
        tpu.vector_store %arg9[%swap3A_254, %swap3A_255, %swap3A_256], %select_n3A_252 {strides = array<i32>} : memref<2x128x64xf32, #tpu.memory_space<vmem>>, vector<16xf32>,
        %get3A_258 = arith.constant 1 : i32
        %get3A_259 = arith.index_cast %get3A_258 : i32 to index
        %get3A_260 = arith.index_cast %add3A_207 : i32 to index
        %get3A_261 = arith.constant 48 : index
        %get3A_262 = tpu.vector_load %arg8[%get3A_259, %get3A_260, %get3A_261] {strides = array<i32>} : memref<2x128x128xf32, #tpu.memory_space<vmem>>, vector<16xf32>,
        %get3A_263 = arith.constant 1 : i32
        %get3A_264 = arith.index_cast %get3A_263 : i32 to index
        %get3A_265 = arith.index_cast %add3A_207 : i32 to index
        %get3A_266 = arith.constant 112 : index
        %get3A_267 = tpu.vector_load %arg8[%get3A_264, %get3A_265, %get3A_266] {strides = array<i32>} : memref<2x128x128xf32, #tpu.memory_space<vmem>>, vector<16xf32>,
        %select_n3A_268 = arith.select %ne3A, %get3A_267, %get3A_262 : vector<16xi1>, vector<16xf32>
        %swap3A_269 = arith.constant 1 : i32
        %swap3A_270 = arith.index_cast %swap3A_269 : i32 to index
        %swap3A_271 = arith.index_cast %add3A_207 : i32 to index
        %swap3A_272 = arith.constant 48 : index
        %swap3A_273 = tpu.vector_load %arg9[%swap3A_270, %swap3A_271, %swap3A_272] {strides = array<i32>} : memref<2x128x64xf32, #tpu.memory_space<vmem>>, vector<16xf32>,
        tpu.vector_store %arg9[%swap3A_270, %swap3A_271, %swap3A_272], %select_n3A_268 {strides = array<i32>} : memref<2x128x64xf32, #tpu.memory_space<vmem>>, vector<16xf32>,
        %mul3A_274 = arith.constant 8 : i32
        %mul3A_275 = arith.muli %scan3A_203, %mul3A_274 : i32
        %add3A_276 = arith.constant 1 : i32
        %add3A_277 = arith.addi %mul3A_275, %add3A_276 : i32
        %get3A_278 = arith.constant 1 : i32
        %get3A_279 = arith.index_cast %get3A_278 : i32 to index
        %get3A_280 = arith.index_cast %add3A_277 : i32 to index
        %get3A_281 = arith.constant 0 : index
        %get3A_282 = tpu.vector_load %arg7[%get3A_279, %get3A_280, %get3A_281] {strides = array<i32>} : memref<2x128x16xi32, #tpu.memory_space<vmem>>, vector<16xi32>,
        %ne3A_283 = arith.cmpi ne, %get3A_282, %broadcast_in_dim3A_3 : vector<16xi32>
        %get3A_284 = arith.constant 1 : i32
        %get3A_285 = arith.index_cast %get3A_284 : i32 to index
        %get3A_286 = arith.index_cast %add3A_277 : i32 to index
        %get3A_287 = arith.constant 0 : index
        %get3A_288 = tpu.vector_load %arg8[%get3A_285, %get3A_286, %get3A_287] {strides = array<i32>} : memref<2x128x128xf32, #tpu.memory_space<vmem>>, vector<16xf32>,
        %get3A_289 = arith.constant 1 : i32
        %get3A_290 = arith.index_cast %get3A_289 : i32 to index
        %get3A_291 = arith.index_cast %add3A_277 : i32 to index
        %get3A_292 = arith.constant 64 : index
        %get3A_293 = tpu.vector_load %arg8[%get3A_290, %get3A_291, %get3A_292] {strides = array<i32>} : memref<2x128x128xf32, #tpu.memory_space<vmem>>, vector<16xf32>,
        %select_n3A_294 = arith.select %ne3A_283, %get3A_293, %get3A_288 : vector<16xi1>, vector<16xf32>
        %swap3A_295 = arith.constant 1 : i32
        %swap3A_296 = arith.index_cast %swap3A_295 : i32 to index
        %swap3A_297 = arith.index_cast %add3A_277 : i32 to index
        %swap3A_298 = arith.constant 0 : index
        %swap3A_299 = tpu.vector_load %arg9[%swap3A_296, %swap3A_297, %swap3A_298] {strides = array<i32>} : memref<2x128x64xf32, #tpu.memory_space<vmem>>, vector<16xf32>,
        tpu.vector_store %arg9[%swap3A_296, %swap3A_297, %swap3A_298], %select_n3A_294 {strides = array<i32>} : memref<2x128x64xf32, #tpu.memory_space<vmem>>, vector<16xf32>,
        %get3A_300 = arith.constant 1 : i32
        %get3A_301 = arith.index_cast %get3A_300 : i32 to index
        %get3A_302 = arith.index_cast %add3A_277 : i32 to index
        %get3A_303 = arith.constant 16 : index
        %get3A_304 = tpu.vector_load %arg8[%get3A_301, %get3A_302, %get3A_303] {strides = array<i32>} : memref<2x128x128xf32, #tpu.memory_space<vmem>>, vector<16xf32>,
        %get3A_305 = arith.constant 1 : i32
        %get3A_306 = arith.index_cast %get3A_305 : i32 to index
        %get3A_307 = arith.index_cast %add3A_277 : i32 to index
        %get3A_308 = arith.constant 80 : index
        %get3A_309 = tpu.vector_load %arg8[%get3A_306, %get3A_307, %get3A_308] {strides = array<i32>} : memref<2x128x128xf32, #tpu.memory_space<vmem>>, vector<16xf32>,
        %select_n3A_310 = arith.select %ne3A_283, %get3A_309, %get3A_304 : vector<16xi1>, vector<16xf32>
        %swap3A_311 = arith.constant 1 : i32
        %swap3A_312 = arith.index_cast %swap3A_311 : i32 to index
        %swap3A_313 = arith.index_cast %add3A_277 : i32 to index
        %swap3A_314 = arith.constant 16 : index
        %swap3A_315 = tpu.vector_load %arg9[%swap3A_312, %swap3A_313, %swap3A_314] {strides = array<i32>} : memref<2x128x64xf32, #tpu.memory_space<vmem>>, vector<16xf32>,
        tpu.vector_store %arg9[%swap3A_312, %swap3A_313, %swap3A_314], %select_n3A_310 {strides = array<i32>} : memref<2x128x64xf32, #tpu.memory_space<vmem>>, vector<16xf32>,
        %get3A_316 = arith.constant 1 : i32
        %get3A_317 = arith.index_cast %get3A_316 : i32 to index
        %get3A_318 = arith.index_cast %add3A_277 : i32 to index
        %get3A_319 = arith.constant 32 : index
        %get3A_320 = tpu.vector_load %arg8[%get3A_317, %get3A_318, %get3A_319] {strides = array<i32>} : memref<2x128x128xf32, #tpu.memory_space<vmem>>, vector<16xf32>,
        %get3A_321 = arith.constant 1 : i32
        %get3A_322 = arith.index_cast %get3A_321 : i32 to index
        %get3A_323 = arith.index_cast %add3A_277 : i32 to index
        %get3A_324 = arith.constant 96 : index
        %get3A_325 = tpu.vector_load %arg8[%get3A_322, %get3A_323, %get3A_324] {strides = array<i32>} : memref<2x128x128xf32, #tpu.memory_space<vmem>>, vector<16xf32>,
        %select_n3A_326 = arith.select %ne3A_283, %get3A_325, %get3A_320 : vector<16xi1>, vector<16xf32>
        %swap3A_327 = arith.constant 1 : i32
        %swap3A_328 = arith.index_cast %swap3A_327 : i32 to index
        %swap3A_329 = arith.index_cast %add3A_277 : i32 to index
        %swap3A_330 = arith.constant 32 : index
        %swap3A_331 = tpu.vector_load %arg9[%swap3A_328, %swap3A_329, %swap3A_330] {strides = array<i32>} : memref<2x128x64xf32, #tpu.memory_space<vmem>>, vector<16xf32>,
        tpu.vector_store %arg9[%swap3A_328, %swap3A_329, %swap3A_330], %select_n3A_326 {strides = array<i32>} : memref<2x128x64xf32, #tpu.memory_space<vmem>>, vector<16xf32>,
        %get3A_332 = arith.constant 1 : i32
        %get3A_333 = arith.index_cast %get3A_332 : i32 to index
        %get3A_334 = arith.index_cast %add3A_277 : i32 to index
        %get3A_335 = arith.constant 48 : index
        %get3A_336 = tpu.vector_load %arg8[%get3A_333, %get3A_334, %get3A_335] {strides = array<i32>} : memref<2x128x128xf32, #tpu.memory_space<vmem>>, vector<16xf32>,
        %get3A_337 = arith.constant 1 : i32
        %get3A_338 = arith.index_cast %get3A_337 : i32 to index
        %get3A_339 = arith.index_cast %add3A_277 : i32 to index
        %get3A_340 = arith.constant 112 : index
        %get3A_341 = tpu.vector_load %arg8[%get3A_338, %get3A_339, %get3A_340] {strides = array<i32>} : memref<2x128x128xf32, #tpu.memory_space<vmem>>, vector<16xf32>,
        %select_n3A_342 = arith.select %ne3A_283, %get3A_341, %get3A_336 : vector<16xi1>, vector<16xf32>
        %swap3A_343 = arith.constant 1 : i32
        %swap3A_344 = arith.index_cast %swap3A_343 : i32 to index
        %swap3A_345 = arith.index_cast %add3A_277 : i32 to index
        %swap3A_346 = arith.constant 48 : index
        %swap3A_347 = tpu.vector_load %arg9[%swap3A_344, %swap3A_345, %swap3A_346] {strides = array<i32>} : memref<2x128x64xf32, #tpu.memory_space<vmem>>, vector<16xf32>,
        tpu.vector_store %arg9[%swap3A_344, %swap3A_345, %swap3A_346], %select_n3A_342 {strides = array<i32>} : memref<2x128x64xf32, #tpu.memory_space<vmem>>, vector<16xf32>,
        %mul3A_348 = arith.constant 8 : i32
        %mul3A_349 = arith.muli %scan3A_203, %mul3A_348 : i32
        %add3A_350 = arith.constant 2 : i32
        %add3A_351 = arith.addi %mul3A_349, %add3A_350 : i32
        %get3A_352 = arith.constant 1 : i32
        %get3A_353 = arith.index_cast %get3A_352 : i32 to index
        %get3A_354 = arith.index_cast %add3A_351 : i32 to index
        %get3A_355 = arith.constant 0 : index
        %get3A_356 = tpu.vector_load %arg7[%get3A_353, %get3A_354, %get3A_355] {strides = array<i32>} : memref<2x128x16xi32, #tpu.memory_space<vmem>>, vector<16xi32>,
        %ne3A_357 = arith.cmpi ne, %get3A_356, %broadcast_in_dim3A_3 : vector<16xi32>
        %get3A_358 = arith.constant 1 : i32
        %get3A_359 = arith.index_cast %get3A_358 : i32 to index
        %get3A_360 = arith.index_cast %add3A_351 : i32 to index
        %get3A_361 = arith.constant 0 : index
        %get3A_362 = tpu.vector_load %arg8[%get3A_359, %get3A_360, %get3A_361] {strides = array<i32>} : memref<2x128x128xf32, #tpu.memory_space<vmem>>, vector<16xf32>,
        %get3A_363 = arith.constant 1 : i32
        %get3A_364 = arith.index_cast %get3A_363 : i32 to index
        %get3A_365 = arith.index_cast %add3A_351 : i32 to index
        %get3A_366 = arith.constant 64 : index
        %get3A_367 = tpu.vector_load %arg8[%get3A_364, %get3A_365, %get3A_366] {strides = array<i32>} : memref<2x128x128xf32, #tpu.memory_space<vmem>>, vector<16xf32>,
        %select_n3A_368 = arith.select %ne3A_357, %get3A_367, %get3A_362 : vector<16xi1>, vector<16xf32>
        %swap3A_369 = arith.constant 1 : i32
        %swap3A_370 = arith.index_cast %swap3A_369 : i32 to index
        %swap3A_371 = arith.index_cast %add3A_351 : i32 to index
        %swap3A_372 = arith.constant 0 : index
        %swap3A_373 = tpu.vector_load %arg9[%swap3A_370, %swap3A_371, %swap3A_372] {strides = array<i32>} : memref<2x128x64xf32, #tpu.memory_space<vmem>>, vector<16xf32>,
        tpu.vector_store %arg9[%swap3A_370, %swap3A_371, %swap3A_372], %select_n3A_368 {strides = array<i32>} : memref<2x128x64xf32, #tpu.memory_space<vmem>>, vector<16xf32>,
        %get3A_374 = arith.constant 1 : i32
        %get3A_375 = arith.index_cast %get3A_374 : i32 to index
        %get3A_376 = arith.index_cast %add3A_351 : i32 to index
        %get3A_377 = arith.constant 16 : index
        %get3A_378 = tpu.vector_load %arg8[%get3A_375, %get3A_376, %get3A_377] {strides = array<i32>} : memref<2x128x128xf32, #tpu.memory_space<vmem>>, vector<16xf32>,
        %get3A_379 = arith.constant 1 : i32
        %get3A_380 = arith.index_cast %get3A_379 : i32 to index
        %get3A_381 = arith.index_cast %add3A_351 : i32 to index
        %get3A_382 = arith.constant 80 : index
        %get3A_383 = tpu.vector_load %arg8[%get3A_380, %get3A_381, %get3A_382] {strides = array<i32>} : memref<2x128x128xf32, #tpu.memory_space<vmem>>, vector<16xf32>,
        %select_n3A_384 = arith.select %ne3A_357, %get3A_383, %get3A_378 : vector<16xi1>, vector<16xf32>
        %swap3A_385 = arith.constant 1 : i32
        %swap3A_386 = arith.index_cast %swap3A_385 : i32 to index
        %swap3A_387 = arith.index_cast %add3A_351 : i32 to index
        %swap3A_388 = arith.constant 16 : index
        %swap3A_389 = tpu.vector_load %arg9[%swap3A_386, %swap3A_387, %swap3A_388] {strides = array<i32>} : memref<2x128x64xf32, #tpu.memory_space<vmem>>, vector<16xf32>,
        tpu.vector_store %arg9[%swap3A_386, %swap3A_387, %swap3A_388], %select_n3A_384 {strides = array<i32>} : memref<2x128x64xf32, #tpu.memory_space<vmem>>, vector<16xf32>,
        %get3A_390 = arith.constant 1 : i32
        %get3A_391 = arith.index_cast %get3A_390 : i32 to index
        %get3A_392 = arith.index_cast %add3A_351 : i32 to index
        %get3A_393 = arith.constant 32 : index
        %get3A_394 = tpu.vector_load %arg8[%get3A_391, %get3A_392, %get3A_393] {strides = array<i32>} : memref<2x128x128xf32, #tpu.memory_space<vmem>>, vector<16xf32>,
        %get3A_395 = arith.constant 1 : i32
        %get3A_396 = arith.index_cast %get3A_395 : i32 to index
        %get3A_397 = arith.index_cast %add3A_351 : i32 to index
        %get3A_398 = arith.constant 96 : index
        %get3A_399 = tpu.vector_load %arg8[%get3A_396, %get3A_397, %get3A_398] {strides = array<i32>} : memref<2x128x128xf32, #tpu.memory_space<vmem>>, vector<16xf32>,
        %select_n3A_400 = arith.select %ne3A_357, %get3A_399, %get3A_394 : vector<16xi1>, vector<16xf32>
        %swap3A_401 = arith.constant 1 : i32
        %swap3A_402 = arith.index_cast %swap3A_401 : i32 to index
        %swap3A_403 = arith.index_cast %add3A_351 : i32 to index
        %swap3A_404 = arith.constant 32 : index
        %swap3A_405 = tpu.vector_load %arg9[%swap3A_402, %swap3A_403, %swap3A_404] {strides = array<i32>} : memref<2x128x64xf32, #tpu.memory_space<vmem>>, vector<16xf32>,
        tpu.vector_store %arg9[%swap3A_402, %swap3A_403, %swap3A_404], %select_n3A_400 {strides = array<i32>} : memref<2x128x64xf32, #tpu.memory_space<vmem>>, vector<16xf32>,
        %get3A_406 = arith.constant 1 : i32
        %get3A_407 = arith.index_cast %get3A_406 : i32 to index
        %get3A_408 = arith.index_cast %add3A_351 : i32 to index
        %get3A_409 = arith.constant 48 : index
        %get3A_410 = tpu.vector_load %arg8[%get3A_407, %get3A_408, %get3A_409] {strides = array<i32>} : memref<2x128x128xf32, #tpu.memory_space<vmem>>, vector<16xf32>,
        %get3A_411 = arith.constant 1 : i32
        %get3A_412 = arith.index_cast %get3A_411 : i32 to index
        %get3A_413 = arith.index_cast %add3A_351 : i32 to index
        %get3A_414 = arith.constant 112 : index
        %get3A_415 = tpu.vector_load %arg8[%get3A_412, %get3A_413, %get3A_414] {strides = array<i32>} : memref<2x128x128xf32, #tpu.memory_space<vmem>>, vector<16xf32>,
        %select_n3A_416 = arith.select %ne3A_357, %get3A_415, %get3A_410 : vector<16xi1>, vector<16xf32>
        %swap3A_417 = arith.constant 1 : i32
        %swap3A_418 = arith.index_cast %swap3A_417 : i32 to index
        %swap3A_419 = arith.index_cast %add3A_351 : i32 to index
        %swap3A_420 = arith.constant 48 : index
        %swap3A_421 = tpu.vector_load %arg9[%swap3A_418, %swap3A_419, %swap3A_420] {strides = array<i32>} : memref<2x128x64xf32, #tpu.memory_space<vmem>>, vector<16xf32>,
        tpu.vector_store %arg9[%swap3A_418, %swap3A_419, %swap3A_420], %select_n3A_416 {strides = array<i32>} : memref<2x128x64xf32, #tpu.memory_space<vmem>>, vector<16xf32>,
        %mul3A_422 = arith.constant 8 : i32
        %mul3A_423 = arith.muli %scan3A_203, %mul3A_422 : i32
        %add3A_424 = arith.constant 3 : i32
        %add3A_425 = arith.addi %mul3A_423, %add3A_424 : i32
        %get3A_426 = arith.constant 1 : i32
        %get3A_427 = arith.index_cast %get3A_426 : i32 to index
        %get3A_428 = arith.index_cast %add3A_425 : i32 to index
        %get3A_429 = arith.constant 0 : index
        %get3A_430 = tpu.vector_load %arg7[%get3A_427, %get3A_428, %get3A_429] {strides = array<i32>} : memref<2x128x16xi32, #tpu.memory_space<vmem>>, vector<16xi32>,
        %ne3A_431 = arith.cmpi ne, %get3A_430, %broadcast_in_dim3A_3 : vector<16xi32>
        %get3A_432 = arith.constant 1 : i32
        %get3A_433 = arith.index_cast %get3A_432 : i32 to index
        %get3A_434 = arith.index_cast %add3A_425 : i32 to index
        %get3A_435 = arith.constant 0 : index
        %get3A_436 = tpu.vector_load %arg8[%get3A_433, %get3A_434, %get3A_435] {strides = array<i32>} : memref<2x128x128xf32, #tpu.memory_space<vmem>>, vector<16xf32>,
        %get3A_437 = arith.constant 1 : i32
        %get3A_438 = arith.index_cast %get3A_437 : i32 to index
        %get3A_439 = arith.index_cast %add3A_425 : i32 to index
        %get3A_440 = arith.constant 64 : index
        %get3A_441 = tpu.vector_load %arg8[%get3A_438, %get3A_439, %get3A_440] {strides = array<i32>} : memref<2x128x128xf32, #tpu.memory_space<vmem>>, vector<16xf32>,
        %select_n3A_442 = arith.select %ne3A_431, %get3A_441, %get3A_436 : vector<16xi1>, vector<16xf32>
        %swap3A_443 = arith.constant 1 : i32
        %swap3A_444 = arith.index_cast %swap3A_443 : i32 to index
        %swap3A_445 = arith.index_cast %add3A_425 : i32 to index
        %swap3A_446 = arith.constant 0 : index
        %swap3A_447 = tpu.vector_load %arg9[%swap3A_444, %swap3A_445, %swap3A_446] {strides = array<i32>} : memref<2x128x64xf32, #tpu.memory_space<vmem>>, vector<16xf32>,
        tpu.vector_store %arg9[%swap3A_444, %swap3A_445, %swap3A_446], %select_n3A_442 {strides = array<i32>} : memref<2x128x64xf32, #tpu.memory_space<vmem>>, vector<16xf32>,
        %get3A_448 = arith.constant 1 : i32
        %get3A_449 = arith.index_cast %get3A_448 : i32 to index
        %get3A_450 = arith.index_cast %add3A_425 : i32 to index
        %get3A_451 = arith.constant 16 : index
        %get3A_452 = tpu.vector_load %arg8[%get3A_449, %get3A_450, %get3A_451] {strides = array<i32>} : memref<2x128x128xf32, #tpu.memory_space<vmem>>, vector<16xf32>,
        %get3A_453 = arith.constant 1 : i32
        %get3A_454 = arith.index_cast %get3A_453 : i32 to index
        %get3A_455 = arith.index_cast %add3A_425 : i32 to index
        %get3A_456 = arith.constant 80 : index
        %get3A_457 = tpu.vector_load %arg8[%get3A_454, %get3A_455, %get3A_456] {strides = array<i32>} : memref<2x128x128xf32, #tpu.memory_space<vmem>>, vector<16xf32>,
        %select_n3A_458 = arith.select %ne3A_431, %get3A_457, %get3A_452 : vector<16xi1>, vector<16xf32>
        %swap3A_459 = arith.constant 1 : i32
        %swap3A_460 = arith.index_cast %swap3A_459 : i32 to index
        %swap3A_461 = arith.index_cast %add3A_425 : i32 to index
        %swap3A_462 = arith.constant 16 : index
        %swap3A_463 = tpu.vector_load %arg9[%swap3A_460, %swap3A_461, %swap3A_462] {strides = array<i32>} : memref<2x128x64xf32, #tpu.memory_space<vmem>>, vector<16xf32>,
        tpu.vector_store %arg9[%swap3A_460, %swap3A_461, %swap3A_462], %select_n3A_458 {strides = array<i32>} : memref<2x128x64xf32, #tpu.memory_space<vmem>>, vector<16xf32>,
        %get3A_464 = arith.constant 1 : i32
        %get3A_465 = arith.index_cast %get3A_464 : i32 to index
        %get3A_466 = arith.index_cast %add3A_425 : i32 to index
        %get3A_467 = arith.constant 32 : index
        %get3A_468 = tpu.vector_load %arg8[%get3A_465, %get3A_466, %get3A_467] {strides = array<i32>} : memref<2x128x128xf32, #tpu.memory_space<vmem>>, vector<16xf32>,
        %get3A_469 = arith.constant 1 : i32
        %get3A_470 = arith.index_cast %get3A_469 : i32 to index
        %get3A_471 = arith.index_cast %add3A_425 : i32 to index
        %get3A_472 = arith.constant 96 : index
        %get3A_473 = tpu.vector_load %arg8[%get3A_470, %get3A_471, %get3A_472] {strides = array<i32>} : memref<2x128x128xf32, #tpu.memory_space<vmem>>, vector<16xf32>,
        %select_n3A_474 = arith.select %ne3A_431, %get3A_473, %get3A_468 : vector<16xi1>, vector<16xf32>
        %swap3A_475 = arith.constant 1 : i32
        %swap3A_476 = arith.index_cast %swap3A_475 : i32 to index
        %swap3A_477 = arith.index_cast %add3A_425 : i32 to index
        %swap3A_478 = arith.constant 32 : index
        %swap3A_479 = tpu.vector_load %arg9[%swap3A_476, %swap3A_477, %swap3A_478] {strides = array<i32>} : memref<2x128x64xf32, #tpu.memory_space<vmem>>, vector<16xf32>,
        tpu.vector_store %arg9[%swap3A_476, %swap3A_477, %swap3A_478], %select_n3A_474 {strides = array<i32>} : memref<2x128x64xf32, #tpu.memory_space<vmem>>, vector<16xf32>,
        %get3A_480 = arith.constant 1 : i32
        %get3A_481 = arith.index_cast %get3A_480 : i32 to index
        %get3A_482 = arith.index_cast %add3A_425 : i32 to index
        %get3A_483 = arith.constant 48 : index
        %get3A_484 = tpu.vector_load %arg8[%get3A_481, %get3A_482, %get3A_483] {strides = array<i32>} : memref<2x128x128xf32, #tpu.memory_space<vmem>>, vector<16xf32>,
        %get3A_485 = arith.constant 1 : i32
        %get3A_486 = arith.index_cast %get3A_485 : i32 to index
        %get3A_487 = arith.index_cast %add3A_425 : i32 to index
        %get3A_488 = arith.constant 112 : index
        %get3A_489 = tpu.vector_load %arg8[%get3A_486, %get3A_487, %get3A_488] {strides = array<i32>} : memref<2x128x128xf32, #tpu.memory_space<vmem>>, vector<16xf32>,
        %select_n3A_490 = arith.select %ne3A_431, %get3A_489, %get3A_484 : vector<16xi1>, vector<16xf32>
        %swap3A_491 = arith.constant 1 : i32
        %swap3A_492 = arith.index_cast %swap3A_491 : i32 to index
        %swap3A_493 = arith.index_cast %add3A_425 : i32 to index
        %swap3A_494 = arith.constant 48 : index
        %swap3A_495 = tpu.vector_load %arg9[%swap3A_492, %swap3A_493, %swap3A_494] {strides = array<i32>} : memref<2x128x64xf32, #tpu.memory_space<vmem>>, vector<16xf32>,
        tpu.vector_store %arg9[%swap3A_492, %swap3A_493, %swap3A_494], %select_n3A_490 {strides = array<i32>} : memref<2x128x64xf32, #tpu.memory_space<vmem>>, vector<16xf32>,
        %mul3A_496 = arith.constant 8 : i32
        %mul3A_497 = arith.muli %scan3A_203, %mul3A_496 : i32
        %add3A_498 = arith.constant 4 : i32
        %add3A_499 = arith.addi %mul3A_497, %add3A_498 : i32
        %get3A_500 = arith.constant 1 : i32
        %get3A_501 = arith.index_cast %get3A_500 : i32 to index
        %get3A_502 = arith.index_cast %add3A_499 : i32 to index
        %get3A_503 = arith.constant 0 : index
        %get3A_504 = tpu.vector_load %arg7[%get3A_501, %get3A_502, %get3A_503] {strides = array<i32>} : memref<2x128x16xi32, #tpu.memory_space<vmem>>, vector<16xi32>,
        %ne3A_505 = arith.cmpi ne, %get3A_504, %broadcast_in_dim3A_3 : vector<16xi32>
        %get3A_506 = arith.constant 1 : i32
        %get3A_507 = arith.index_cast %get3A_506 : i32 to index
        %get3A_508 = arith.index_cast %add3A_499 : i32 to index
        %get3A_509 = arith.constant 0 : index
        %get3A_510 = tpu.vector_load %arg8[%get3A_507, %get3A_508, %get3A_509] {strides = array<i32>} : memref<2x128x128xf32, #tpu.memory_space<vmem>>, vector<16xf32>,
        %get3A_511 = arith.constant 1 : i32
        %get3A_512 = arith.index_cast %get3A_511 : i32 to index
        %get3A_513 = arith.index_cast %add3A_499 : i32 to index
        %get3A_514 = arith.constant 64 : index
        %get3A_515 = tpu.vector_load %arg8[%get3A_512, %get3A_513, %get3A_514] {strides = array<i32>} : memref<2x128x128xf32, #tpu.memory_space<vmem>>, vector<16xf32>,
        %select_n3A_516 = arith.select %ne3A_505, %get3A_515, %get3A_510 : vector<16xi1>, vector<16xf32>
        %swap3A_517 = arith.constant 1 : i32
        %swap3A_518 = arith.index_cast %swap3A_517 : i32 to index
        %swap3A_519 = arith.index_cast %add3A_499 : i32 to index
        %swap3A_520 = arith.constant 0 : index
        %swap3A_521 = tpu.vector_load %arg9[%swap3A_518, %swap3A_519, %swap3A_520] {strides = array<i32>} : memref<2x128x64xf32, #tpu.memory_space<vmem>>, vector<16xf32>,
        tpu.vector_store %arg9[%swap3A_518, %swap3A_519, %swap3A_520], %select_n3A_516 {strides = array<i32>} : memref<2x128x64xf32, #tpu.memory_space<vmem>>, vector<16xf32>,
        %get3A_522 = arith.constant 1 : i32
        %get3A_523 = arith.index_cast %get3A_522 : i32 to index
        %get3A_524 = arith.index_cast %add3A_499 : i32 to index
        %get3A_525 = arith.constant 16 : index
        %get3A_526 = tpu.vector_load %arg8[%get3A_523, %get3A_524, %get3A_525] {strides = array<i32>} : memref<2x128x128xf32, #tpu.memory_space<vmem>>, vector<16xf32>,
        %get3A_527 = arith.constant 1 : i32
        %get3A_528 = arith.index_cast %get3A_527 : i32 to index
        %get3A_529 = arith.index_cast %add3A_499 : i32 to index
        %get3A_530 = arith.constant 80 : index
        %get3A_531 = tpu.vector_load %arg8[%get3A_528, %get3A_529, %get3A_530] {strides = array<i32>} : memref<2x128x128xf32, #tpu.memory_space<vmem>>, vector<16xf32>,
        %select_n3A_532 = arith.select %ne3A_505, %get3A_531, %get3A_526 : vector<16xi1>, vector<16xf32>
        %swap3A_533 = arith.constant 1 : i32
        %swap3A_534 = arith.index_cast %swap3A_533 : i32 to index
        %swap3A_535 = arith.index_cast %add3A_499 : i32 to index
        %swap3A_536 = arith.constant 16 : index
        %swap3A_537 = tpu.vector_load %arg9[%swap3A_534, %swap3A_535, %swap3A_536] {strides = array<i32>} : memref<2x128x64xf32, #tpu.memory_space<vmem>>, vector<16xf32>,
        tpu.vector_store %arg9[%swap3A_534, %swap3A_535, %swap3A_536], %select_n3A_532 {strides = array<i32>} : memref<2x128x64xf32, #tpu.memory_space<vmem>>, vector<16xf32>,
        %get3A_538 = arith.constant 1 : i32
        %get3A_539 = arith.index_cast %get3A_538 : i32 to index
        %get3A_540 = arith.index_cast %add3A_499 : i32 to index
        %get3A_541 = arith.constant 32 : index
        %get3A_542 = tpu.vector_load %arg8[%get3A_539, %get3A_540, %get3A_541] {strides = array<i32>} : memref<2x128x128xf32, #tpu.memory_space<vmem>>, vector<16xf32>,
        %get3A_543 = arith.constant 1 : i32
        %get3A_544 = arith.index_cast %get3A_543 : i32 to index
        %get3A_545 = arith.index_cast %add3A_499 : i32 to index
        %get3A_546 = arith.constant 96 : index
        %get3A_547 = tpu.vector_load %arg8[%get3A_544, %get3A_545, %get3A_546] {strides = array<i32>} : memref<2x128x128xf32, #tpu.memory_space<vmem>>, vector<16xf32>,
        %select_n3A_548 = arith.select %ne3A_505, %get3A_547, %get3A_542 : vector<16xi1>, vector<16xf32>
        %swap3A_549 = arith.constant 1 : i32
        %swap3A_550 = arith.index_cast %swap3A_549 : i32 to index
        %swap3A_551 = arith.index_cast %add3A_499 : i32 to index
        %swap3A_552 = arith.constant 32 : index
        %swap3A_553 = tpu.vector_load %arg9[%swap3A_550, %swap3A_551, %swap3A_552] {strides = array<i32>} : memref<2x128x64xf32, #tpu.memory_space<vmem>>, vector<16xf32>,
        tpu.vector_store %arg9[%swap3A_550, %swap3A_551, %swap3A_552], %select_n3A_548 {strides = array<i32>} : memref<2x128x64xf32, #tpu.memory_space<vmem>>, vector<16xf32>,
        %get3A_554 = arith.constant 1 : i32
        %get3A_555 = arith.index_cast %get3A_554 : i32 to index
        %get3A_556 = arith.index_cast %add3A_499 : i32 to index
        %get3A_557 = arith.constant 48 : index
        %get3A_558 = tpu.vector_load %arg8[%get3A_555, %get3A_556, %get3A_557] {strides = array<i32>} : memref<2x128x128xf32, #tpu.memory_space<vmem>>, vector<16xf32>,
        %get3A_559 = arith.constant 1 : i32
        %get3A_560 = arith.index_cast %get3A_559 : i32 to index
        %get3A_561 = arith.index_cast %add3A_499 : i32 to index
        %get3A_562 = arith.constant 112 : index
        %get3A_563 = tpu.vector_load %arg8[%get3A_560, %get3A_561, %get3A_562] {strides = array<i32>} : memref<2x128x128xf32, #tpu.memory_space<vmem>>, vector<16xf32>,
        %select_n3A_564 = arith.select %ne3A_505, %get3A_563, %get3A_558 : vector<16xi1>, vector<16xf32>
        %swap3A_565 = arith.constant 1 : i32
        %swap3A_566 = arith.index_cast %swap3A_565 : i32 to index
        %swap3A_567 = arith.index_cast %add3A_499 : i32 to index
        %swap3A_568 = arith.constant 48 : index
        %swap3A_569 = tpu.vector_load %arg9[%swap3A_566, %swap3A_567, %swap3A_568] {strides = array<i32>} : memref<2x128x64xf32, #tpu.memory_space<vmem>>, vector<16xf32>,
        tpu.vector_store %arg9[%swap3A_566, %swap3A_567, %swap3A_568], %select_n3A_564 {strides = array<i32>} : memref<2x128x64xf32, #tpu.memory_space<vmem>>, vector<16xf32>,
        %mul3A_570 = arith.constant 8 : i32
        %mul3A_571 = arith.muli %scan3A_203, %mul3A_570 : i32
        %add3A_572 = arith.constant 5 : i32
        %add3A_573 = arith.addi %mul3A_571, %add3A_572 : i32
        %get3A_574 = arith.constant 1 : i32
        %get3A_575 = arith.index_cast %get3A_574 : i32 to index
        %get3A_576 = arith.index_cast %add3A_573 : i32 to index
        %get3A_577 = arith.constant 0 : index
        %get3A_578 = tpu.vector_load %arg7[%get3A_575, %get3A_576, %get3A_577] {strides = array<i32>} : memref<2x128x16xi32, #tpu.memory_space<vmem>>, vector<16xi32>,
        %ne3A_579 = arith.cmpi ne, %get3A_578, %broadcast_in_dim3A_3 : vector<16xi32>
        %get3A_580 = arith.constant 1 : i32
        %get3A_581 = arith.index_cast %get3A_580 : i32 to index
        %get3A_582 = arith.index_cast %add3A_573 : i32 to index
        %get3A_583 = arith.constant 0 : index
        %get3A_584 = tpu.vector_load %arg8[%get3A_581, %get3A_582, %get3A_583] {strides = array<i32>} : memref<2x128x128xf32, #tpu.memory_space<vmem>>, vector<16xf32>,
        %get3A_585 = arith.constant 1 : i32
        %get3A_586 = arith.index_cast %get3A_585 : i32 to index
        %get3A_587 = arith.index_cast %add3A_573 : i32 to index
        %get3A_588 = arith.constant 64 : index
        %get3A_589 = tpu.vector_load %arg8[%get3A_586, %get3A_587, %get3A_588] {strides = array<i32>} : memref<2x128x128xf32, #tpu.memory_space<vmem>>, vector<16xf32>,
        %select_n3A_590 = arith.select %ne3A_579, %get3A_589, %get3A_584 : vector<16xi1>, vector<16xf32>
        %swap3A_591 = arith.constant 1 : i32
        %swap3A_592 = arith.index_cast %swap3A_591 : i32 to index
        %swap3A_593 = arith.index_cast %add3A_573 : i32 to index
        %swap3A_594 = arith.constant 0 : index
        %swap3A_595 = tpu.vector_load %arg9[%swap3A_592, %swap3A_593, %swap3A_594] {strides = array<i32>} : memref<2x128x64xf32, #tpu.memory_space<vmem>>, vector<16xf32>,
        tpu.vector_store %arg9[%swap3A_592, %swap3A_593, %swap3A_594], %select_n3A_590 {strides = array<i32>} : memref<2x128x64xf32, #tpu.memory_space<vmem>>, vector<16xf32>,
        %get3A_596 = arith.constant 1 : i32
        %get3A_597 = arith.index_cast %get3A_596 : i32 to index
        %get3A_598 = arith.index_cast %add3A_573 : i32 to index
        %get3A_599 = arith.constant 16 : index
        %get3A_600 = tpu.vector_load %arg8[%get3A_597, %get3A_598, %get3A_599] {strides = array<i32>} : memref<2x128x128xf32, #tpu.memory_space<vmem>>, vector<16xf32>,
        %get3A_601 = arith.constant 1 : i32
        %get3A_602 = arith.index_cast %get3A_601 : i32 to index
        %get3A_603 = arith.index_cast %add3A_573 : i32 to index
        %get3A_604 = arith.constant 80 : index
        %get3A_605 = tpu.vector_load %arg8[%get3A_602, %get3A_603, %get3A_604] {strides = array<i32>} : memref<2x128x128xf32, #tpu.memory_space<vmem>>, vector<16xf32>,
        %select_n3A_606 = arith.select %ne3A_579, %get3A_605, %get3A_600 : vector<16xi1>, vector<16xf32>
        %swap3A_607 = arith.constant 1 : i32
        %swap3A_608 = arith.index_cast %swap3A_607 : i32 to index
        %swap3A_609 = arith.index_cast %add3A_573 : i32 to index
        %swap3A_610 = arith.constant 16 : index
        %swap3A_611 = tpu.vector_load %arg9[%swap3A_608, %swap3A_609, %swap3A_610] {strides = array<i32>} : memref<2x128x64xf32, #tpu.memory_space<vmem>>, vector<16xf32>,
        tpu.vector_store %arg9[%swap3A_608, %swap3A_609, %swap3A_610], %select_n3A_606 {strides = array<i32>} : memref<2x128x64xf32, #tpu.memory_space<vmem>>, vector<16xf32>,
        %get3A_612 = arith.constant 1 : i32
        %get3A_613 = arith.index_cast %get3A_612 : i32 to index
        %get3A_614 = arith.index_cast %add3A_573 : i32 to index
        %get3A_615 = arith.constant 32 : index
        %get3A_616 = tpu.vector_load %arg8[%get3A_613, %get3A_614, %get3A_615] {strides = array<i32>} : memref<2x128x128xf32, #tpu.memory_space<vmem>>, vector<16xf32>,
        %get3A_617 = arith.constant 1 : i32
        %get3A_618 = arith.index_cast %get3A_617 : i32 to index
        %get3A_619 = arith.index_cast %add3A_573 : i32 to index
        %get3A_620 = arith.constant 96 : index
        %get3A_621 = tpu.vector_load %arg8[%get3A_618, %get3A_619, %get3A_620] {strides = array<i32>} : memref<2x128x128xf32, #tpu.memory_space<vmem>>, vector<16xf32>,
        %select_n3A_622 = arith.select %ne3A_579, %get3A_621, %get3A_616 : vector<16xi1>, vector<16xf32>
        %swap3A_623 = arith.constant 1 : i32
        %swap3A_624 = arith.index_cast %swap3A_623 : i32 to index
        %swap3A_625 = arith.index_cast %add3A_573 : i32 to index
        %swap3A_626 = arith.constant 32 : index
        %swap3A_627 = tpu.vector_load %arg9[%swap3A_624, %swap3A_625, %swap3A_626] {strides = array<i32>} : memref<2x128x64xf32, #tpu.memory_space<vmem>>, vector<16xf32>,
        tpu.vector_store %arg9[%swap3A_624, %swap3A_625, %swap3A_626], %select_n3A_622 {strides = array<i32>} : memref<2x128x64xf32, #tpu.memory_space<vmem>>, vector<16xf32>,
        %get3A_628 = arith.constant 1 : i32
        %get3A_629 = arith.index_cast %get3A_628 : i32 to index
        %get3A_630 = arith.index_cast %add3A_573 : i32 to index
        %get3A_631 = arith.constant 48 : index
        %get3A_632 = tpu.vector_load %arg8[%get3A_629, %get3A_630, %get3A_631] {strides = array<i32>} : memref<2x128x128xf32, #tpu.memory_space<vmem>>, vector<16xf32>,
        %get3A_633 = arith.constant 1 : i32
        %get3A_634 = arith.index_cast %get3A_633 : i32 to index
        %get3A_635 = arith.index_cast %add3A_573 : i32 to index
        %get3A_636 = arith.constant 112 : index
        %get3A_637 = tpu.vector_load %arg8[%get3A_634, %get3A_635, %get3A_636] {strides = array<i32>} : memref<2x128x128xf32, #tpu.memory_space<vmem>>, vector<16xf32>,
        %select_n3A_638 = arith.select %ne3A_579, %get3A_637, %get3A_632 : vector<16xi1>, vector<16xf32>
        %swap3A_639 = arith.constant 1 : i32
        %swap3A_640 = arith.index_cast %swap3A_639 : i32 to index
        %swap3A_641 = arith.index_cast %add3A_573 : i32 to index
        %swap3A_642 = arith.constant 48 : index
        %swap3A_643 = tpu.vector_load %arg9[%swap3A_640, %swap3A_641, %swap3A_642] {strides = array<i32>} : memref<2x128x64xf32, #tpu.memory_space<vmem>>, vector<16xf32>,
        tpu.vector_store %arg9[%swap3A_640, %swap3A_641, %swap3A_642], %select_n3A_638 {strides = array<i32>} : memref<2x128x64xf32, #tpu.memory_space<vmem>>, vector<16xf32>,
        %mul3A_644 = arith.constant 8 : i32
        %mul3A_645 = arith.muli %scan3A_203, %mul3A_644 : i32
        %add3A_646 = arith.constant 6 : i32
        %add3A_647 = arith.addi %mul3A_645, %add3A_646 : i32
        %get3A_648 = arith.constant 1 : i32
        %get3A_649 = arith.index_cast %get3A_648 : i32 to index
        %get3A_650 = arith.index_cast %add3A_647 : i32 to index
        %get3A_651 = arith.constant 0 : index
        %get3A_652 = tpu.vector_load %arg7[%get3A_649, %get3A_650, %get3A_651] {strides = array<i32>} : memref<2x128x16xi32, #tpu.memory_space<vmem>>, vector<16xi32>,
        %ne3A_653 = arith.cmpi ne, %get3A_652, %broadcast_in_dim3A_3 : vector<16xi32>
        %get3A_654 = arith.constant 1 : i32
        %get3A_655 = arith.index_cast %get3A_654 : i32 to index
        %get3A_656 = arith.index_cast %add3A_647 : i32 to index
        %get3A_657 = arith.constant 0 : index
        %get3A_658 = tpu.vector_load %arg8[%get3A_655, %get3A_656, %get3A_657] {strides = array<i32>} : memref<2x128x128xf32, #tpu.memory_space<vmem>>, vector<16xf32>,
        %get3A_659 = arith.constant 1 : i32
        %get3A_660 = arith.index_cast %get3A_659 : i32 to index
        %get3A_661 = arith.index_cast %add3A_647 : i32 to index
        %get3A_662 = arith.constant 64 : index
        %get3A_663 = tpu.vector_load %arg8[%get3A_660, %get3A_661, %get3A_662] {strides = array<i32>} : memref<2x128x128xf32, #tpu.memory_space<vmem>>, vector<16xf32>,
        %select_n3A_664 = arith.select %ne3A_653, %get3A_663, %get3A_658 : vector<16xi1>, vector<16xf32>
        %swap3A_665 = arith.constant 1 : i32
        %swap3A_666 = arith.index_cast %swap3A_665 : i32 to index
        %swap3A_667 = arith.index_cast %add3A_647 : i32 to index
        %swap3A_668 = arith.constant 0 : index
        %swap3A_669 = tpu.vector_load %arg9[%swap3A_666, %swap3A_667, %swap3A_668] {strides = array<i32>} : memref<2x128x64xf32, #tpu.memory_space<vmem>>, vector<16xf32>,
        tpu.vector_store %arg9[%swap3A_666, %swap3A_667, %swap3A_668], %select_n3A_664 {strides = array<i32>} : memref<2x128x64xf32, #tpu.memory_space<vmem>>, vector<16xf32>,
        %get3A_670 = arith.constant 1 : i32
        %get3A_671 = arith.index_cast %get3A_670 : i32 to index
        %get3A_672 = arith.index_cast %add3A_647 : i32 to index
        %get3A_673 = arith.constant 16 : index
        %get3A_674 = tpu.vector_load %arg8[%get3A_671, %get3A_672, %get3A_673] {strides = array<i32>} : memref<2x128x128xf32, #tpu.memory_space<vmem>>, vector<16xf32>,
        %get3A_675 = arith.constant 1 : i32
        %get3A_676 = arith.index_cast %get3A_675 : i32 to index
        %get3A_677 = arith.index_cast %add3A_647 : i32 to index
        %get3A_678 = arith.constant 80 : index
        %get3A_679 = tpu.vector_load %arg8[%get3A_676, %get3A_677, %get3A_678] {strides = array<i32>} : memref<2x128x128xf32, #tpu.memory_space<vmem>>, vector<16xf32>,
        %select_n3A_680 = arith.select %ne3A_653, %get3A_679, %get3A_674 : vector<16xi1>, vector<16xf32>
        %swap3A_681 = arith.constant 1 : i32
        %swap3A_682 = arith.index_cast %swap3A_681 : i32 to index
        %swap3A_683 = arith.index_cast %add3A_647 : i32 to index
        %swap3A_684 = arith.constant 16 : index
        %swap3A_685 = tpu.vector_load %arg9[%swap3A_682, %swap3A_683, %swap3A_684] {strides = array<i32>} : memref<2x128x64xf32, #tpu.memory_space<vmem>>, vector<16xf32>,
        tpu.vector_store %arg9[%swap3A_682, %swap3A_683, %swap3A_684], %select_n3A_680 {strides = array<i32>} : memref<2x128x64xf32, #tpu.memory_space<vmem>>, vector<16xf32>,
        %get3A_686 = arith.constant 1 : i32
        %get3A_687 = arith.index_cast %get3A_686 : i32 to index
        %get3A_688 = arith.index_cast %add3A_647 : i32 to index
        %get3A_689 = arith.constant 32 : index
        %get3A_690 = tpu.vector_load %arg8[%get3A_687, %get3A_688, %get3A_689] {strides = array<i32>} : memref<2x128x128xf32, #tpu.memory_space<vmem>>, vector<16xf32>,
        %get3A_691 = arith.constant 1 : i32
        %get3A_692 = arith.index_cast %get3A_691 : i32 to index
        %get3A_693 = arith.index_cast %add3A_647 : i32 to index
        %get3A_694 = arith.constant 96 : index
        %get3A_695 = tpu.vector_load %arg8[%get3A_692, %get3A_693, %get3A_694] {strides = array<i32>} : memref<2x128x128xf32, #tpu.memory_space<vmem>>, vector<16xf32>,
        %select_n3A_696 = arith.select %ne3A_653, %get3A_695, %get3A_690 : vector<16xi1>, vector<16xf32>
        %swap3A_697 = arith.constant 1 : i32
        %swap3A_698 = arith.index_cast %swap3A_697 : i32 to index
        %swap3A_699 = arith.index_cast %add3A_647 : i32 to index
        %swap3A_700 = arith.constant 32 : index
        %swap3A_701 = tpu.vector_load %arg9[%swap3A_698, %swap3A_699, %swap3A_700] {strides = array<i32>} : memref<2x128x64xf32, #tpu.memory_space<vmem>>, vector<16xf32>,
        tpu.vector_store %arg9[%swap3A_698, %swap3A_699, %swap3A_700], %select_n3A_696 {strides = array<i32>} : memref<2x128x64xf32, #tpu.memory_space<vmem>>, vector<16xf32>,
        %get3A_702 = arith.constant 1 : i32
        %get3A_703 = arith.index_cast %get3A_702 : i32 to index
        %get3A_704 = arith.index_cast %add3A_647 : i32 to index
        %get3A_705 = arith.constant 48 : index
        %get3A_706 = tpu.vector_load %arg8[%get3A_703, %get3A_704, %get3A_705] {strides = array<i32>} : memref<2x128x128xf32, #tpu.memory_space<vmem>>, vector<16xf32>,
        %get3A_707 = arith.constant 1 : i32
        %get3A_708 = arith.index_cast %get3A_707 : i32 to index
        %get3A_709 = arith.index_cast %add3A_647 : i32 to index
        %get3A_710 = arith.constant 112 : index
        %get3A_711 = tpu.vector_load %arg8[%get3A_708, %get3A_709, %get3A_710] {strides = array<i32>} : memref<2x128x128xf32, #tpu.memory_space<vmem>>, vector<16xf32>,
        %select_n3A_712 = arith.select %ne3A_653, %get3A_711, %get3A_706 : vector<16xi1>, vector<16xf32>
        %swap3A_713 = arith.constant 1 : i32
        %swap3A_714 = arith.index_cast %swap3A_713 : i32 to index
        %swap3A_715 = arith.index_cast %add3A_647 : i32 to index
        %swap3A_716 = arith.constant 48 : index
        %swap3A_717 = tpu.vector_load %arg9[%swap3A_714, %swap3A_715, %swap3A_716] {strides = array<i32>} : memref<2x128x64xf32, #tpu.memory_space<vmem>>, vector<16xf32>,
        tpu.vector_store %arg9[%swap3A_714, %swap3A_715, %swap3A_716], %select_n3A_712 {strides = array<i32>} : memref<2x128x64xf32, #tpu.memory_space<vmem>>, vector<16xf32>,
        %mul3A_718 = arith.constant 8 : i32
        %mul3A_719 = arith.muli %scan3A_203, %mul3A_718 : i32
        %add3A_720 = arith.constant 7 : i32
        %add3A_721 = arith.addi %mul3A_719, %add3A_720 : i32
        %get3A_722 = arith.constant 1 : i32
        %get3A_723 = arith.index_cast %get3A_722 : i32 to index
        %get3A_724 = arith.index_cast %add3A_721 : i32 to index
        %get3A_725 = arith.constant 0 : index
        %get3A_726 = tpu.vector_load %arg7[%get3A_723, %get3A_724, %get3A_725] {strides = array<i32>} : memref<2x128x16xi32, #tpu.memory_space<vmem>>, vector<16xi32>,
        %ne3A_727 = arith.cmpi ne, %get3A_726, %broadcast_in_dim3A_3 : vector<16xi32>
        %get3A_728 = arith.constant 1 : i32
        %get3A_729 = arith.index_cast %get3A_728 : i32 to index
        %get3A_730 = arith.index_cast %add3A_721 : i32 to index
        %get3A_731 = arith.constant 0 : index
        %get3A_732 = tpu.vector_load %arg8[%get3A_729, %get3A_730, %get3A_731] {strides = array<i32>} : memref<2x128x128xf32, #tpu.memory_space<vmem>>, vector<16xf32>,
        %get3A_733 = arith.constant 1 : i32
        %get3A_734 = arith.index_cast %get3A_733 : i32 to index
        %get3A_735 = arith.index_cast %add3A_721 : i32 to index
        %get3A_736 = arith.constant 64 : index
        %get3A_737 = tpu.vector_load %arg8[%get3A_734, %get3A_735, %get3A_736] {strides = array<i32>} : memref<2x128x128xf32, #tpu.memory_space<vmem>>, vector<16xf32>,
        %select_n3A_738 = arith.select %ne3A_727, %get3A_737, %get3A_732 : vector<16xi1>, vector<16xf32>
        %swap3A_739 = arith.constant 1 : i32
        %swap3A_740 = arith.index_cast %swap3A_739 : i32 to index
        %swap3A_741 = arith.index_cast %add3A_721 : i32 to index
        %swap3A_742 = arith.constant 0 : index
        %swap3A_743 = tpu.vector_load %arg9[%swap3A_740, %swap3A_741, %swap3A_742] {strides = array<i32>} : memref<2x128x64xf32, #tpu.memory_space<vmem>>, vector<16xf32>,
        tpu.vector_store %arg9[%swap3A_740, %swap3A_741, %swap3A_742], %select_n3A_738 {strides = array<i32>} : memref<2x128x64xf32, #tpu.memory_space<vmem>>, vector<16xf32>,
        %get3A_744 = arith.constant 1 : i32
        %get3A_745 = arith.index_cast %get3A_744 : i32 to index
        %get3A_746 = arith.index_cast %add3A_721 : i32 to index
        %get3A_747 = arith.constant 16 : index
        %get3A_748 = tpu.vector_load %arg8[%get3A_745, %get3A_746, %get3A_747] {strides = array<i32>} : memref<2x128x128xf32, #tpu.memory_space<vmem>>, vector<16xf32>,
        %get3A_749 = arith.constant 1 : i32
        %get3A_750 = arith.index_cast %get3A_749 : i32 to index
        %get3A_751 = arith.index_cast %add3A_721 : i32 to index
        %get3A_752 = arith.constant 80 : index
        %get3A_753 = tpu.vector_load %arg8[%get3A_750, %get3A_751, %get3A_752] {strides = array<i32>} : memref<2x128x128xf32, #tpu.memory_space<vmem>>, vector<16xf32>,
        %select_n3A_754 = arith.select %ne3A_727, %get3A_753, %get3A_748 : vector<16xi1>, vector<16xf32>
        %swap3A_755 = arith.constant 1 : i32
        %swap3A_756 = arith.index_cast %swap3A_755 : i32 to index
        %swap3A_757 = arith.index_cast %add3A_721 : i32 to index
        %swap3A_758 = arith.constant 16 : index
        %swap3A_759 = tpu.vector_load %arg9[%swap3A_756, %swap3A_757, %swap3A_758] {strides = array<i32>} : memref<2x128x64xf32, #tpu.memory_space<vmem>>, vector<16xf32>,
        tpu.vector_store %arg9[%swap3A_756, %swap3A_757, %swap3A_758], %select_n3A_754 {strides = array<i32>} : memref<2x128x64xf32, #tpu.memory_space<vmem>>, vector<16xf32>,
        %get3A_760 = arith.constant 1 : i32
        %get3A_761 = arith.index_cast %get3A_760 : i32 to index
        %get3A_762 = arith.index_cast %add3A_721 : i32 to index
        %get3A_763 = arith.constant 32 : index
        %get3A_764 = tpu.vector_load %arg8[%get3A_761, %get3A_762, %get3A_763] {strides = array<i32>} : memref<2x128x128xf32, #tpu.memory_space<vmem>>, vector<16xf32>,
        %get3A_765 = arith.constant 1 : i32
        %get3A_766 = arith.index_cast %get3A_765 : i32 to index
        %get3A_767 = arith.index_cast %add3A_721 : i32 to index
        %get3A_768 = arith.constant 96 : index
        %get3A_769 = tpu.vector_load %arg8[%get3A_766, %get3A_767, %get3A_768] {strides = array<i32>} : memref<2x128x128xf32, #tpu.memory_space<vmem>>, vector<16xf32>,
        %select_n3A_770 = arith.select %ne3A_727, %get3A_769, %get3A_764 : vector<16xi1>, vector<16xf32>
        %swap3A_771 = arith.constant 1 : i32
        %swap3A_772 = arith.index_cast %swap3A_771 : i32 to index
        %swap3A_773 = arith.index_cast %add3A_721 : i32 to index
        %swap3A_774 = arith.constant 32 : index
        %swap3A_775 = tpu.vector_load %arg9[%swap3A_772, %swap3A_773, %swap3A_774] {strides = array<i32>} : memref<2x128x64xf32, #tpu.memory_space<vmem>>, vector<16xf32>,
        tpu.vector_store %arg9[%swap3A_772, %swap3A_773, %swap3A_774], %select_n3A_770 {strides = array<i32>} : memref<2x128x64xf32, #tpu.memory_space<vmem>>, vector<16xf32>,
        %get3A_776 = arith.constant 1 : i32
        %get3A_777 = arith.index_cast %get3A_776 : i32 to index
        %get3A_778 = arith.index_cast %add3A_721 : i32 to index
        %get3A_779 = arith.constant 48 : index
        %get3A_780 = tpu.vector_load %arg8[%get3A_777, %get3A_778, %get3A_779] {strides = array<i32>} : memref<2x128x128xf32, #tpu.memory_space<vmem>>, vector<16xf32>,
        %get3A_781 = arith.constant 1 : i32
        %get3A_782 = arith.index_cast %get3A_781 : i32 to index
        %get3A_783 = arith.index_cast %add3A_721 : i32 to index
        %get3A_784 = arith.constant 112 : index
        %get3A_785 = tpu.vector_load %arg8[%get3A_782, %get3A_783, %get3A_784] {strides = array<i32>} : memref<2x128x128xf32, #tpu.memory_space<vmem>>, vector<16xf32>,
        %select_n3A_786 = arith.select %ne3A_727, %get3A_785, %get3A_780 : vector<16xi1>, vector<16xf32>
        %swap3A_787 = arith.constant 1 : i32
        %swap3A_788 = arith.index_cast %swap3A_787 : i32 to index
        %swap3A_789 = arith.index_cast %add3A_721 : i32 to index
        %swap3A_790 = arith.constant 48 : index
        %swap3A_791 = tpu.vector_load %arg9[%swap3A_788, %swap3A_789, %swap3A_790] {strides = array<i32>} : memref<2x128x64xf32, #tpu.memory_space<vmem>>, vector<16xf32>,
        tpu.vector_store %arg9[%swap3A_788, %swap3A_789, %swap3A_790], %select_n3A_786 {strides = array<i32>} : memref<2x128x64xf32, #tpu.memory_space<vmem>>, vector<16xf32>,
      }
      %scan3A_184 = arith.constant 16 : i32
      %mul3A_185 = arith.constant 128 : i32
      %mul3A_186 = arith.muli %add3A_137, %mul3A_185 : i32
      %add3A_187 = arith.addi %mul3A_2, %mul3A_186 : i32
      %dma_start3A_188 = arith.constant 1 : i32
      %dma_start3A_189 = arith.constant 0 : i32
      %dma_start3A_190 = arith.constant 0 : i32
      %dma_start3A_191 = tpu.memref_slice %arg9[%dma_start3A_188, %dma_start3A_189, %dma_start3A_190] : memref<2x128x64xf32, #tpu.memory_space<vmem>> -> memref<1x128x64xf32, #tpu.memory_space<vmem>>
      %dma_start3A_192 = tpu.memref_squeeze %dma_start3A_191 : memref<1x128x64xf32, #tpu.memory_space<vmem>> -> memref<128x64xf32, #tpu.memory_space<vmem>>
      %dma_start3A_193 = tpu.memref_reshape %arg5 : memref<4096x200x64xf32, #tpu.memory_space<hbm>> -> memref<819200x64xf32, #tpu.memory_space<hbm>>
      %dma_start3A_194 = arith.constant 0 : i32
      %dma_start3A_195 = tpu.memref_slice %dma_start3A_193[%add3A_187, %dma_start3A_194] : memref<819200x64xf32, #tpu.memory_space<hbm>> -> memref<128x64xf32, #tpu.memory_space<hbm>>
      %dma_start3A_196 = tpu.memref_reshape %arg5 : memref<4096x200x64xf32, #tpu.memory_space<hbm>> -> memref<819200x64xf32, #tpu.memory_space<hbm>>
      %dma_start3A_197 = arith.constant 0 : i32
      %dma_start3A_198 = tpu.memref_slice %dma_start3A_196[%add3A_187, %dma_start3A_197] : memref<819200x64xf32, #tpu.memory_space<hbm>> -> memref<128x64xf32, #tpu.memory_space<hbm>>
      %dma_start3A_199 = arith.constant 0 : i32
      %dma_start3A_200 = arith.constant 0 : i32
      %dma_start3A_201 = tpu.memref_slice %arg9[%dma_start3A_188, %dma_start3A_199, %dma_start3A_200] : memref<2x128x64xf32, #tpu.memory_space<vmem>> -> memref<1x128x64xf32, #tpu.memory_space<vmem>>
      %dma_start3A_202 = tpu.memref_squeeze %dma_start3A_201 : memref<1x128x64xf32, #tpu.memory_space<vmem>> -> memref<128x64xf32, #tpu.memory_space<vmem>>
      tpu.enqueue_dma source(%dma_start3A_202 : memref<128x64xf32, #tpu.memory_space<vmem>>) target(%dma_start3A_198 : memref<128x64xf32, #tpu.memory_space<hbm>>) target_semaphore(%arg15 : memref<!tpu.dma_semaphore, #tpu.memory_space<semaphore_mem>>)
    }
    %scan3A_34 = arith.constant 100 : i32
    %add3A_35 = arith.constant 25344 : i32
    %add3A_36 = arith.addi %mul3A_2, %add3A_35 : i32
    %dma_wait3A = arith.constant 0 : i32
    %dma_wait3A_37 = arith.constant 0 : i32
    %dma_wait3A_38 = arith.constant 0 : i32
    %dma_wait3A_39 = tpu.memref_slice %arg9[%dma_wait3A, %dma_wait3A_37, %dma_wait3A_38] : memref<2x128x64xf32, #tpu.memory_space<vmem>> -> memref<1x128x64xf32, #tpu.memory_space<vmem>>
    %dma_wait3A_40 = tpu.memref_squeeze %dma_wait3A_39 : memref<1x128x64xf32, #tpu.memory_space<vmem>> -> memref<128x64xf32, #tpu.memory_space<vmem>>
    %dma_wait3A_41 = tpu.memref_reshape %arg5 : memref<4096x200x64xf32, #tpu.memory_space<hbm>> -> memref<819200x64xf32, #tpu.memory_space<hbm>>
    %dma_wait3A_42 = arith.constant 0 : i32
    %dma_wait3A_43 = tpu.memref_slice %dma_wait3A_41[%add3A_36, %dma_wait3A_42] : memref<819200x64xf32, #tpu.memory_space<hbm>> -> memref<128x64xf32, #tpu.memory_space<hbm>>
    %dma_wait3A_44 = tpu.memref_reshape %arg5 : memref<4096x200x64xf32, #tpu.memory_space<hbm>> -> memref<819200x64xf32, #tpu.memory_space<hbm>>
    %dma_wait3A_45 = arith.constant 0 : i32
    %dma_wait3A_46 = tpu.memref_slice %dma_wait3A_44[%add3A_36, %dma_wait3A_45] : memref<819200x64xf32, #tpu.memory_space<hbm>> -> memref<128x64xf32, #tpu.memory_space<hbm>>
    %dma_wait3A_47 = arith.constant 0 : i32
    %dma_wait3A_48 = arith.constant 0 : i32
    %dma_wait3A_49 = tpu.memref_slice %arg9[%dma_wait3A, %dma_wait3A_47, %dma_wait3A_48] : memref<2x128x64xf32, #tpu.memory_space<vmem>> -> memref<1x128x64xf32, #tpu.memory_space<vmem>>
    %dma_wait3A_50 = tpu.memref_squeeze %dma_wait3A_49 : memref<1x128x64xf32, #tpu.memory_space<vmem>> -> memref<128x64xf32, #tpu.memory_space<vmem>>
    tpu.wait_dma2 semaphore(%arg14 : memref<!tpu.dma_semaphore, #tpu.memory_space<semaphore_mem>>) src(%dma_wait3A_50 : memref<128x64xf32, #tpu.memory_space<vmem>>) dst(%dma_wait3A_46 : memref<128x64xf32, #tpu.memory_space<hbm>>)
    %add3A_51 = arith.constant 25472 : i32
    %add3A_52 = arith.addi %mul3A_2, %add3A_51 : i32
    %dma_wait3A_53 = arith.constant 1 : i32
    %dma_wait3A_54 = arith.constant 0 : i32
    %dma_wait3A_55 = arith.constant 0 : i32
    %dma_wait3A_56 = tpu.memref_slice %arg9[%dma_wait3A_53, %dma_wait3A_54, %dma_wait3A_55] : memref<2x128x64xf32, #tpu.memory_space<vmem>> -> memref<1x128x64xf32, #tpu.memory_space<vmem>>
    %dma_wait3A_57 = tpu.memref_squeeze %dma_wait3A_56 : memref<1x128x64xf32, #tpu.memory_space<vmem>> -> memref<128x64xf32, #tpu.memory_space<vmem>>
    %dma_wait3A_58 = tpu.memref_reshape %arg5 : memref<4096x200x64xf32, #tpu.memory_space<hbm>> -> memref<819200x64xf32, #tpu.memory_space<hbm>>
    %dma_wait3A_59 = arith.constant 0 : i32
    %dma_wait3A_60 = tpu.memref_slice %dma_wait3A_58[%add3A_52, %dma_wait3A_59] : memref<819200x64xf32, #tpu.memory_space<hbm>> -> memref<128x64xf32, #tpu.memory_space<hbm>>
    %dma_wait3A_61 = tpu.memref_reshape %arg5 : memref<4096x200x64xf32, #tpu.memory_space<hbm>> -> memref<819200x64xf32, #tpu.memory_space<hbm>>
    %dma_wait3A_62 = arith.constant 0 : i32
    %dma_wait3A_63 = tpu.memref_slice %dma_wait3A_61[%add3A_52, %dma_wait3A_62] : memref<819200x64xf32, #tpu.memory_space<hbm>> -> memref<128x64xf32, #tpu.memory_space<hbm>>
    %dma_wait3A_64 = arith.constant 0 : i32
    %dma_wait3A_65 = arith.constant 0 : i32
    %dma_wait3A_66 = tpu.memref_slice %arg9[%dma_wait3A_53, %dma_wait3A_64, %dma_wait3A_65] : memref<2x128x64xf32, #tpu.memory_space<vmem>> -> memref<1x128x64xf32, #tpu.memory_space<vmem>>
    %dma_wait3A_67 = tpu.memref_squeeze %dma_wait3A_66 : memref<1x128x64xf32, #tpu.memory_space<vmem>> -> memref<128x64xf32, #tpu.memory_space<vmem>>
    tpu.wait_dma2 semaphore(%arg15 : memref<!tpu.dma_semaphore, #tpu.memory_space<semaphore_mem>>) src(%dma_wait3A_67 : memref<128x64xf32, #tpu.memory_space<vmem>>) dst(%dma_wait3A_63 : memref<128x64xf32, #tpu.memory_space<hbm>>)
    return
  }
}

</mosaic_0001>

<sc_bundles>
// kernel: kernel.3.cloned.1.call-start
scs
__scs_entry_jumppad:
0x0: {  	(pc) =	sbr.rel $0x88, $3  }
0x1: {  	(tag) =	ssettag $0x0;
	lr =	simm.s32 $0x1  }
0x2: {  	[smem:$0x3F9F] =	sst lr;
	_ =	strace $0xD0000000  }
0x3: {  	_ = 	snop  }
0x4: {  	_ = 	snop  }
0x5: {  	_ = 	snop  }
0x6: {  	_ = 	snop  }
0x7: {  	_ = 	snop  }
__scs_overlays_trampoline_lowered:
0x8: {  	[smem:$0x3FAE] =	sst s0  }
0x9: {  	[smem:$0x3FAF] =	sst s1  }
0xa: {  	[smem:$0x3FB0] =	sst s2  }
0xb: {  	[smem:$0x3FB1] =	sst s3  }
0xc: {  	[smem:$0x3FB2] =	sst s4  }
0xd: {  	[smem:$0x3FB3] =	sst s5  }
0xe: {  	[smem:$0x3FB4] =	sst s6  }
0xf: {  	[smem:$0x3FB5] =	sst s7  }
0x10: {  	[smem:$0x3FB6] =	sst s8  }
0x11: {  	[smem:$0x3FB7] =	sst s9;
	s0 =	simm.s32 @!p0 $0x0  }
0x12: {  	s1 =	sld [smem:$0x3F9D];
	s0 =	simm.s32 @p0 $0x1  }
0x13: {  	[smem:$0x3FB8] =	sst s0;
	s0 =	simm.s32 @!p1 $0x0  }
0x14: {  	s2 =	sld [smem:$0x3F9C];
	s0 =	simm.s32 @p1 $0x1  }
0x15: {  	[smem:$0x3FB9] =	sst s0;
	s0 =	simm.s32 @!p2 $0x0  }
0x16: {  	s3 =	sld [smem:$0x3FDB];
	s0 =	simm.s32 @p2 $0x1  }
0x17: {  	s4 =	simm.s32 $0x1BF5;
	[smem:$0x3FBB] =	sst s0  }
0x18: {  	s0 =	sld [smem:$0x3F9E];
	_ =	swait.ge [sflag:s4], $0x0  }
0x19: {  	s7 =	sld [smem:$0x3F9F]  }
0x1a: {  	s8 =	sadd.s32 $0xFFFFE003, lr  }
0x1b: {  	s9 =	sadd.s32 $0xFFFFFEF7, lr;
	s5 =	simm.s32 $0xFFFFFFFF;
	p2 =	slt.u32 s8, $0xFFFFF086  }
0x1c: {  	p1 =	slt.u32 s9, $0xF7A;
	s5 =	simm.s32 @!p2 $0x0  }
0x1d: {  	s5 =	simm.s32 @p1 $0x1;
	p0 =	seq.s32 s7, s2  }
0x1e: {  	s7 =	smul.u32 @!p0 $0xF7A, s2;
	p2 =	seq.s32 @!p0 s5, $0x0  }
0x1f: {  	s9 =	smul.u32 $0xF7A, s1;
	s8 =	simm.s32 @!p0 $0x1BF5;
	p2 =	por !p2, p0  }
0x20: {  	[sflag:s8] =	ssyncset.s32 @!p0 $0xFFFFF086;
	s6 =	sadd.s32 @!p0 s3, s7;
	s7 =	simm.s32 @!p0 $0x108  }
0x21: {  	s3 =	sadd.s32 s3, s9;
	s6 =	sadd.s32 @!p0 $0x88, s6;
	s7 =	simm.s32 @p2 $0x1082  }
0x22: {  	[simem:s7], [sflag:s8] =	dma.local @!p0 [hbm:s6], $0xF7A  }
0x23: {  	s9 =	sor.u32 $0xD0000000, s2;
	s6 =	simm.s32 $0x108;
	_ =	swait.ge @!p0 [sflag:s8], $0x0  }
0x24: {  	s3 =	sadd.s32 $0x88, s3;
	s6 =	simm.s32 @!p1 $0x1082;
	[sflag:s4] =	ssyncset.s32 $0xFFFFF086  }
0x25: {  	[simem:s6], [sflag:s4] =	dma.local [hbm:s3], $0xF7A  }
0x26: {  	[smem:$0x3F9F] =	sst s1;
	(tag) =	ssettag s2;
	_ =	strace s9  }
0x27: {  	s1 =	sld [smem:$0x3FAF]  }
0x28: {  	s2 =	sld [smem:$0x3FB0]  }
0x29: {  	s4 =	sld [smem:$0x3FB2]  }
0x2a: {  	p0 =	seq.s32 s5, $0x0;
	s5 =	sld [smem:$0x3FB3]  }
0x2b: {  	s6 =	sld [smem:$0x3FB4]  }
0x2c: {  	s7 =	sld [smem:$0x3FB5]  }
0x2d: {  	s3 =	simm.s32 $0x108;
	s8 =	sld [smem:$0x3FB6]  }
0x2e: {  	s3 =	simm.s32 @!p0 $0x1082;
	s9 =	sld [smem:$0x3FB7]  }
0x2f: {  	lr =	sadd.s32 s0, s3;
	s0 =	sld [smem:$0x3FAE]  }
0x30: {  	s3 =	sld [smem:$0x3FB1]  }
0x31: {  	[smem:$0x3FBA] =	sst s10  }
0x32: {  	s10 =	sld [smem:$0x3FB8];
	_ =	sdelay $0x3  }
0x33: {  	p0 =	seq.s32 s10, $0x1;
	s10 =	sld [smem:$0x3FBA];
	_ =	sdelay $0x3  }
0x34: {  	[smem:$0x3FBA] =	sst s10  }
0x35: {  	s10 =	sld [smem:$0x3FB9];
	_ =	sdelay $0x3  }
0x36: {  	p1 =	seq.s32 s10, $0x1;
	s10 =	sld [smem:$0x3FBA];
	_ =	sdelay $0x3  }
0x37: {  	[smem:$0x3FBA] =	sst s10  }
0x38: {  	s10 =	sld [smem:$0x3FBB]  }
0x39: {  	_ = 	snop;
	(pc) =	sbr.ind lr, $3  }
0x3a: {  	_ = 	snop  }
0x3b: {  	_ = 	snop  }
0x3c: {  	p2 =	seq.s32 s10, $0x1;
	s10 =	sld [smem:$0x3FBA]  }
0x3d: {  	_ =	shalt  }
0x3e: {  	_ =	shalt  }
0x3f: {  	_ =	shalt  }
0x40: {  	_ =	shalt  }
0x41: {  	_ =	shalt  }
0x42: {  	_ =	shalt  }
0x43: {  	_ =	shalt  }
0x44: {  	_ =	shalt  }
0x45: {  	_ =	shalt  }
0x46: {  	_ =	shalt  }
0x47: {  	_ =	shalt  }
0x48: {  	_ =	shalt  }
0x49: {  	_ =	shalt  }
0x4a: {  	_ =	shalt  }
0x4b: {  	_ =	shalt  }
0x4c: {  	_ =	shalt  }
0x4d: {  	_ =	shalt  }
0x4e: {  	_ =	shalt  }
0x4f: {  	_ =	shalt  }
0x50: {  	_ =	shalt  }
0x51: {  	_ =	shalt  }
0x52: {  	_ =	shalt  }
0x53: {  	_ =	shalt  }
0x54: {  	_ =	shalt  }
0x55: {  	_ =	shalt  }
0x56: {  	_ =	shalt  }
0x57: {  	_ =	shalt  }
0x58: {  	_ =	shalt  }
0x59: {  	_ =	shalt  }
0x5a: {  	_ =	shalt  }
0x5b: {  	_ =	shalt  }
0x5c: {  	_ =	shalt  }
0x5d: {  	_ =	shalt  }
0x5e: {  	_ =	shalt  }
0x5f: {  	_ =	shalt  }
0x60: {  	_ =	shalt  }
0x61: {  	_ =	shalt  }
0x62: {  	_ =	shalt  }
0x63: {  	_ =	shalt  }
0x64: {  	_ =	shalt  }
0x65: {  	_ =	shalt  }
0x66: {  	_ =	shalt  }
0x67: {  	_ =	shalt  }
0x68: {  	_ =	shalt  }
0x69: {  	_ =	shalt  }
0x6a: {  	_ =	shalt  }
0x6b: {  	_ =	shalt  }
0x6c: {  	_ =	shalt  }
0x6d: {  	_ =	shalt  }
0x6e: {  	_ =	shalt  }
0x6f: {  	_ =	shalt  }
0x70: {  	_ =	shalt  }
0x71: {  	_ =	shalt  }
0x72: {  	_ =	shalt  }
0x73: {  	_ =	shalt  }
0x74: {  	_ =	shalt  }
0x75: {  	_ =	shalt  }
0x76: {  	_ =	shalt  }
0x77: {  	_ =	shalt  }
0x78: {  	_ =	shalt  }
0x79: {  	_ =	shalt  }
0x7a: {  	_ =	shalt  }
0x7b: {  	_ =	shalt  }
0x7c: {  	_ =	shalt  }
0x7d: {  	_ =	shalt  }
0x7e: {  	_ =	shalt  }
0x7f: {  	_ =	shalt  }
0x80: {  	_ =	shalt  }
0x81: {  	_ =	shalt  }
0x82: {  	_ =	shalt  }
0x83: {  	_ =	shalt  }
0x84: {  	_ =	shalt  }
0x85: {  	_ =	shalt  }
0x86: {  	_ =	shalt  }
0x87: {  	_ =	shalt  }
.Lfunc_end0:
.L_simem_size_0:
called_computation_lowered:
.L_overlay_start_0:
0x88: {  	s2 =	sld [smem:$0x3FD9]  }
0x89: {  	s3 =	sld [smem:$0x3FFE];
	_ =	sdelay $0x1  }
0x8a: {  	s1 =	srdreg.scid  }
0x8b: {  	s0 =	sand.u32 $0x1, s1  }
0x8c: {  	s17 =	sshll.u32 s0, $0xA;
	s2 =	sadd.s32 s3, s2  }
0x8d: {  	s2 =	sadd.s32 s2, s17  }
0x8e: {  	[smem:$0x3FC6] =	sst s2  }
0x8f: {  	_ = 	snop  }
0x90: {  	s2 =	sld [smem:$0x3FD0];
	(tm) =	ssettm $0x1  }
0x91: {  	s18 =	sld [smem:$0x3FFB];
	_ =	sdelay $0x3  }
0x92: {  	_ =	strace s18  }
0x93: {  	s3 =	sld [smem:$0x3FFC];
	_ =	sdelay $0x3  }
0x94: {  	_ =	strace s3  }
0x95: {  	s3 =	sld [smem:$0x3FFD];
	_ =	sdelay $0x3  }
0x96: {  	_ =	strace s3  }
0x97: {  	_ =	strace $0x8FFFFFFF  }
0x98: {  	s19 =	sld [smem:$0x3FDB];
	_ =	sdelay $0x1  }
0x99: {  	s4 =	simm.s32 $_scs_section_size  }
0x9a: {  	s5 =	simm.s32 $_size__tile_overlayer_lowered;
	s6 =	simm.s32 $_tile_overlayer_lowered  }
0x9b: {  	s22 =	simm.s32 $0x1BFF;
	s21 =	sshll.u32 s6, $0x1;
	s3 =	sadd.s32 s4, s19  }
0x9c: {  	s7 =	simm.s32 $0x0;
	s20 =	sshll.u32 s5, $0x1;
	s5 =	sadd.s32 s21, s3  }
0x9d: {  	[timem:s7], [sflag:s22] =	dma.local [hbm:s5], s20  }
0x9e: {  	_ =	swait.ge [sflag:s22], s20  }
0x9f: {  	s4 =	ssub.s32 $0x0, s20;
	[sflag:s22] =	ssyncset.done $0x0  }
0xa0: {  	[sflag:s22] =	ssyncadd.s32 s4;
	_ =	sdelay $0x1  }
0xa1: {  	s23 =	simm.s32 $0x1B8B  }
0xa2: {  	_ =	swait.ge [sflag:s23], $0x1  }
0xa3: {  	[sflag:s23] =	ssyncset.done $0x0  }
0xa4: {  	s25 =	simm.s32 $0x1B8E;
	s24 =	sld [smem:$0x3FFE];
	[sflag:s23] =	ssyncadd.s32 $0xFFFFFFFF  }
0xa5: {  	s26 =	simm.s32 $execute0_lowered;
	[smem:$0x3FD2] =	sst s25  }
0xa6: {  	s5 =	sshll.u32 s26, $0x1;
	_ =	strace $0x80000046;
	[dreg:$0x1] =	wrdreg $0xFFFFFFFF  }
0xa7: {  	s28 =	simm.s32 $_size_execute0_lowered;
	s3 =	sadd.s32 s3, s5;
	[dreg:$0x0] =	wrdreg $0x0  }
0xa8: {  	s5 =	sshll.u32 s28, $0x1;
	[dreg:$0x2] =	wrdreg s3  }
0xa9: {  	[dreg:$0x3] =	wrdreg s5  }
0xaa: {  	[dreg:$0x4] =	wrdreg $0xC0  }
0xab: {  	_ =	task [dreg:s7], $0x5FFFF  }
0xac: {  	[dreg:$0x1] =	wrdreg $0xFFFFFFFF  }
0xad: {  	[dreg:$0x0] =	wrdreg $0x60  }
0xae: {  	[dreg:$0x2] =	wrdreg s24  }
0xaf: {  	[dreg:$0x3] =	wrdreg s2  }
0xb0: {  	[dreg:$0x4] =	wrdreg $0x9  }
0xb1: {  	_ =	task.clear_ibuf [dreg:s7], $0x5FFFF;
	_ =	strace $0x90000046  }
0xb2: {  	s29 =	simm.s32 $0x9;
	_ =	strace $0x80000048  }
0xb3: {  	_ =	swait.ge [sflag:s29], $0x1  }
0xb4: {  	[sflag:s29] =	ssyncadd.s32 $0xFFFFFFFF  }
0xb5: {  	_ =	strace $0x90000048  }
0xb6: {  	_ =	sfence  }
0xb7: {  	s30 =	sld [smem:$0x0];
	_ =	sdelay $0x2  }
0xb8: {  	s31 =	sshll.u32 s1, $0xD;
	s1 =	sshrl.u32 s1, $0x2  }
0xb9: {  	s3 =	sand.u32 $0x4000, s31;
	s1 =	sadd.s32 s1, s30  }
0xba: {  	s0 =	sor.u32 s3, s0;
	s1 =	sshll.u32 s1, $0x11  }
0xbb: {  	s0 =	sor.u32 s1, s0  }
0xbc: {  	s0 =	sadd.s32 $0x8F2B, s0  }
0xbd: {  	[sflag:s0] =	ssyncadd.remote.s32 $0x1  }
0xbe: {  	_ =	sfence.sel $0xFFFF  }
0xbf: {  	[dreg:$0x0] =	wrdreg $0xFFFFFFFF;
	(pc) =	sbr.abs _section_cstart, $3  }
0xc0: {  	[dreg:$0x1] =	wrdreg $0xFFFFFFFF  }
0xc1: {  	_ =	task.clear_ibuf [dreg:s7], $0x2FFFF;
	_ =	strace $0x9FFFFFFF  }
0xc2: {  	(tm) =	ssettm $0x7FFFFFFF  }
0xc3: {  	_ =	shalt  }
tec
execute0_lowered:
.L_overlay_start_1:
0x0: {  	(tag) =	ssettag $0x1  }
0x1: {  	s5 =	rddreg [dreg:$0x0]  }
0x2: {  	s6 =	rddreg [dreg:$0x1]  }
0x3: {  	s0 =	rddreg [dreg:$0x2];
	s2 =	simm.s32 $0x0;
	s3 =	srdreg.scid  }
0x4: {  	s1 =	stileid.u32;
	s12 =	simm.s32 $0xE400;
	s13 =	simm.s32 $0x6400  }
0x5: {  	s14 =	simm.s32 $0x12400;
	s15 =	simm.s32 $0xA400;
	s16 =	simm.s32 $0x1  }
0x6: {  	s17 =	simm.s32 $0x3;
	s18 =	simm.s32 $0x16400;
	s19 =	simm.s32 $0x2  }
0x7: {  	s20 =	simm.s32 $0x4;
	s21 =	simm.s32 $0x1A400;
	s22 =	simm.s32 $0x5  }
0x8: {  	s23 =	simm.s32 $0x6;
	s4 =	sand.u32 $0x1, s3;
	s31 =	sshll.u32 s1, $0x1  }
0x9: {  	[smem:$0x7FF] =	sst s2;
	s3 =	sadd.s32 $0xF42C00, s5;
	s8 =	sor.u32 s4, s31  }
0xa: {  	s24 =	simm.s32 $0x0;
	_ =	strace $0x80000047;
	s9 =	smul.u32 $0xC80, s8  }
0xb: {  	s7 =	ssub.s32 $0x2, s4;
	s4 =	sadd.s32 $0x800, s5;
	s11 =	smul.u32 $0x64000, s8  }
0xc: {  	s5 =	sadd.s32 $0x16E3E00, s5;
	s10 =	sshrl.u32 s7, $0x1;
	s8 =	smul.u32 $0x320000, s8  }
0xd: {  	s10 =	ssub.s32 s7, s10;
	s6 =	sadd.s32 s6, s9;
	s7 =	sadd.s32 s4, s11  }
0xe: {  	s9 =	smax.u32 s10, $0x1;
	s10 =	simm.s32 $0x7;
	s11 =	simm.s32 $0x80  }
.LBB2_1:
0xf: {  	[tilespmem:s2], [sflag:$0x7] =	stream.linear.gather [hbm4b:s6+s2], $0x6400, $0x38;
	[tilespmem:$0x1E400] =	vst v63  }
0x10: {  	_ =	swait.ge [sflag:s10], $0x6400  }
0x11: {  	[sflag:s10] =	ssyncset.done $0x0  }
0x12: {  	[sflag:s10] =	ssyncadd.s32 $0xFFFF9C00  }
0x13: {  	[tilespmem:s12], [sflag:$0x1] =	stream.indirect.gather [hbm4b:s3+s11], $0x80, s2, s11, $0xb8;
	[tilespmem:$0x1E400] =	vst v63  }
0x14: {  	s25 =	simm.s32 $0x0  }
0x15: {  	[tilespmem:s13], [sflag:$0x3] =	stream.linear.gather [hbm4b:s7+s2], $0x4000, $0x38;
	[tilespmem:$0x1E400] =	vst v63  }
.LBB2_2:
0x16: {  	s26 =	sshllo.u32 s25, $0x1  }
0x17: {  	s28 =	sshll.u32 s26, $0x7;
	s26 =	sshll.u32 s26, $0xE  }
0x18: {  	s28 =	sand.u32 $0x3FFFFF80, s28;
	s26 =	sadd.s32 s8, s26  }
0x19: {  	[tilespmem:s14], [sflag:$0x2] =	stream.indirect.gather [hbm4b:s3+s11], $0x80, s28, s11, $0xb8;
	[tilespmem:$0x1E400] =	vst v63  }
0x1a: {  	s26 =	sshrl.u32 s26, $0x3  }
0x1b: {  	s28 =	sadd.s32 s4, s26  }
0x1c: {  	[tilespmem:s15], [sflag:$0x4] =	stream.linear.gather [hbm4b:s28+s2], $0x4000, $0x38;
	[tilespmem:$0x1E400] =	vst v63  }
0x1d: {  	_ =	swait.ge [sflag:s16], $0x4000  }
0x1e: {  	[sflag:s16] =	ssyncset.done $0x0  }
0x1f: {  	[sflag:s16] =	ssyncadd.s32 $0xFFFFC000  }
0x20: {  	_ =	swait.ge [sflag:s17], $0x4000  }
0x21: {  	p0 =	seq.s32 s25, $0x0;
	[sflag:s17] =	ssyncset.done $0x0  }
0x22: {  	s28 =	simm.s32 @!p0 $0x5;
	[sflag:s17] =	ssyncadd.s32 $0xFFFFC000  }
0x23: {  	_ =	swait.ge @!p0 [sflag:s28], $0x4000  }
0x24: {  	[sflag:s28] =	ssyncset.done @!p0 $0x0  }
0x25: {  	s29 =	simm.s32 $0x0;
	[sflag:s28] =	ssyncadd.s32 @!p0 $0xFFFFC000  }
0x26: {  	v0 =	vld [tilespmem:s29+$0xE7B0]  }
0x27: {  	v1 =	vld [tilespmem:s29+$0x6780]  }
0x28: {  	v2 =	vld [tilespmem:s29+$0xE7F0]  }
0x29: {  	v3 =	vld [tilespmem:s29+$0x6400]  }
0x2a: {  	v4 =	vld [tilespmem:s29+$0x6480]  }
0x2b: {  	v5 =	vld [tilespmem:s29+$0x6500]  }
0x2c: {  	v6 =	vld [tilespmem:s29+$0x6580]  }
0x2d: {  	v7 =	vld [tilespmem:s29+$0xE400]  }
0x2e: {  	v8 =	vld [tilespmem:s29+$0xE440]  }
0x2f: {  	v9 =	vld [tilespmem:s29+$0xE410]  }
0x30: {  	v10 =	vld [tilespmem:s29+$0xE450]  }
0x31: {  	v11 =	vld [tilespmem:s29+$0xE420]  }
0x32: {  	v51 =	vld [tilespmem:s29+$0xE430]  }
0x33: {  	vm1 =	veq.s32 v3, $0x0;
	v3 =	vld [tilespmem:s29+$0xE460]  }
0x34: {  	v52 =	vld [tilespmem:s29+$0xE480]  }
0x35: {  	v53 =	vld [tilespmem:s29+$0xE4C0];
	v7 =	vsel vm1, v7, v8  }
0x36: {  	[tilespmem:s29+$0x16400] =	vst v7;
	v7 =	vld [tilespmem:s29+$0xE470]  }
0x37: {  	v54 =	vld [tilespmem:s29+$0xE490]  }
0x38: {  	v55 =	vld [tilespmem:s29+$0xE4A0];
	v3 =	vsel vm1, v11, v3  }
0x39: {  	[tilespmem:s29+$0x16420] =	vst v3;
	v3 =	vld [tilespmem:s29+$0xE4D0]  }
0x3a: {  	v56 =	vld [tilespmem:s29+$0xE4B0]  }
0x3b: {  	v9 =	vsel vm1, v9, v10;
	v7 =	vsel vm1, v51, v7;
	vm1 =	veq.s32 v4, $0x0;
	v4 =	vld [tilespmem:s29+$0xE4E0]  }
0x3c: {  	v57 =	vld [tilespmem:s29+$0xE500]  }
0x3d: {  	v58 =	vld [tilespmem:s29+$0xE510];
	[tilespmem:s29+$0x16430] =	vst v7;
	v7 =	vsel vm1, v52, v53  }
0x3e: {  	[tilespmem:s29+$0x16480] =	vst v7;
	v7 =	vld [tilespmem:s29+$0xE4F0];
	v3 =	vsel vm1, v54, v3  }
0x3f: {  	[tilespmem:s29+$0x16490] =	vst v3;
	v3 =	vld [tilespmem:s29+$0xE540]  }
0x40: {  	v59 =	vld [tilespmem:s29+$0xE520];
	v4 =	vsel vm1, v55, v4  }
0x41: {  	[tilespmem:s29+$0x164A0] =	vst v4;
	v4 =	vld [tilespmem:s29+$0xE550]  }
0x42: {  	v60 =	vld [tilespmem:s29+$0xE580]  }
0x43: {  	v7 =	vsel vm1, v56, v7;
	vm1 =	veq.s32 v5, $0x0;
	v5 =	vld [tilespmem:s29+$0xE560]  }
0x44: {  	[tilespmem:s29+$0x164B0] =	vst v7;
	v7 =	vld [tilespmem:s29+$0xE530];
	v3 =	vsel vm1, v57, v3  }
0x45: {  	[tilespmem:s29+$0x16500] =	vst v3;
	v3 =	vld [tilespmem:s29+$0xE570]  }
0x46: {  	v61 =	vld [tilespmem:s29+$0xE590];
	v4 =	vsel vm1, v58, v4  }
0x47: {  	[tilespmem:s29+$0x16510] =	vst v4;
	v4 =	vld [tilespmem:s29+$0xE5C0]  }
0x48: {  	v62 =	vld [tilespmem:s29+$0xE600];
	v5 =	vsel vm1, v59, v5  }
0x49: {  	[tilespmem:s29+$0x16520] =	vst v5;
	v5 =	vld [tilespmem:s29+$0xE5D0]  }
0x4a: {  	v3 =	vsel vm1, v7, v3;
	v7 =	vld [tilespmem:s29+$0xE5A0]  }
0x4b: {  	vm1 =	veq.s32 v6, $0x0;
	[tilespmem:s29+$0x16530] =	vst v3;
	v3 =	vld [tilespmem:s29+$0xE5E0]  }
0x4c: {  	v6 =	vld [tilespmem:s29+$0xE5B0];
	v4 =	vsel vm1, v60, v4  }
0x4d: {  	[tilespmem:s29+$0x16580] =	vst v4;
	v4 =	vld [tilespmem:s29+$0xE5F0]  }
0x4e: {  	vm0 =	veq.s32 v1, $0x0;
	v1 =	vld [tilespmem:s29+$0x6600];
	v5 =	vsel vm1, v61, v5  }
0x4f: {  	[tilespmem:s29+$0x16590] =	vst v5;
	v5 =	vld [tilespmem:s29+$0xE640]  }
0x50: {  	v3 =	vsel vm1, v7, v3;
	v7 =	vld [tilespmem:s29+$0xE610]  }
0x51: {  	[tilespmem:s29+$0x165A0] =	vst v3;
	v3 =	vld [tilespmem:s29+$0xE650]  }
0x52: {  	v4 =	vsel vm1, v6, v4;
	v6 =	vld [tilespmem:s29+$0xE620]  }
0x53: {  	vm1 =	veq.s32 v1, $0x0;
	v1 =	vld [tilespmem:s29+$0xE660]  }
0x54: {  	v0 =	vsel vm0, v0, v2;
	v2 =	vld [tilespmem:s29+$0x6680]  }
0x55: {  	[tilespmem:s29+$0x165B0] =	vst v4;
	v4 =	vsel vm1, v62, v5;
	v5 =	vld [tilespmem:s29+$0xE630]  }
0x56: {  	[tilespmem:s29+$0x16600] =	vst v4;
	v4 =	vld [tilespmem:s29+$0xE670]  }
0x57: {  	v3 =	vsel vm1, v7, v3;
	v7 =	vld [tilespmem:s29+$0xE680]  }
0x58: {  	v1 =	vsel vm1, v6, v1;
	v6 =	vld [tilespmem:s29+$0xE690]  }
0x59: {  	[tilespmem:s29+$0x16610] =	vst v3;
	v3 =	vld [tilespmem:s29+$0xE6C0]  }
0x5a: {  	[tilespmem:s29+$0x16620] =	vst v1;
	v1 =	vld [tilespmem:s29+$0xE6D0]  }
0x5b: {  	[tilespmem:s29+$0x167B0] =	vst v0;
	v0 =	vld [tilespmem:s29+$0x6700]  }
0x5c: {  	v4 =	vsel vm1, v5, v4;
	v5 =	vld [tilespmem:s29+$0xE6A0]  }
0x5d: {  	vm1 =	veq.s32 v2, $0x0;
	v2 =	vld [tilespmem:s29+$0xE6E0]  }
0x5e: {  	[tilespmem:s29+$0x16630] =	vst v4;
	v4 =	vld [tilespmem:s29+$0xE6B0]  }
0x5f: {  	v3 =	vsel vm1, v7, v3;
	v1 =	vsel vm1, v6, v1;
	v6 =	vld [tilespmem:s29+$0xE700]  }
0x60: {  	[tilespmem:s29+$0x16680] =	vst v3;
	v3 =	vld [tilespmem:s29+$0xE6F0]  }
0x61: {  	v7 =	vld [tilespmem:s29+$0xE770]  }
0x62: {  	[tilespmem:s29+$0x16690] =	vst v1;
	v1 =	vld [tilespmem:s29+$0xE740]  }
0x63: {  	v2 =	vsel vm1, v5, v2;
	v5 =	vld [tilespmem:s29+$0xE710]  }
0x64: {  	[tilespmem:s29+$0x166A0] =	vst v2;
	v2 =	vld [tilespmem:s29+$0xE750]  }
0x65: {  	v3 =	vsel vm1, v4, v3;
	v4 =	vld [tilespmem:s29+$0xE720]  }
0x66: {  	vm1 =	veq.s32 v0, $0x0;
	v0 =	vld [tilespmem:s29+$0xE760]  }
0x67: {  	v1 =	vsel vm1, v6, v1;
	v6 =	vld [tilespmem:s29+$0xE730]  }
0x68: {  	v63 =	vld [tilespmem:s29+$0xE7C0];
	[tilespmem:s29+$0x16410] =	vst v9  }
0x69: {  	[tilespmem:s29+$0x16700] =	vst v1;
	v1 =	vsel vm1, v5, v2;
	v5 =	vld [tilespmem:s29+$0xE780]  }
0x6a: {  	[tilespmem:s29+$0x166B0] =	vst v3;
	v3 =	vld [tilespmem:s29+$0xE7D0]  }
0x6b: {  	[tilespmem:s29+$0x16710] =	vst v1;
	v1 =	vld [tilespmem:s29+$0xE790];
	v0 =	vsel vm1, v4, v0  }
0x6c: {  	v2 =	vld [tilespmem:s29+$0xE7A0];
	[tilespmem:s29+$0x16720] =	vst v0;
	v0 =	vsel vm1, v6, v7  }
0x6d: {  	s31 =	simm.s32 $0x400;
	v4 =	vld [tilespmem:s29+$0xE7E0];
	[tilespmem:s29+$0x16730] =	vst v0  }
0x6e: {  	s30 =	simm.s32 $0x2000;
	s28 =	sshll.u32 s25, $0x1;
	v5 =	vsel vm0, v5, v63;
	v0 =	vld [tilespmem:s31+$0xE7B0]  }
.LBB2_3:
0x6f: {  	p1 =	sne.s32 s30, $0xF000;
	v6 =	vld [tilespmem:s31+$0x6780];
	[tilespmem:s29+$0x16780] =	vst v5  }
0x70: {  	v5 =	vld [tilespmem:s31+$0xE7F0];
	v1 =	vsel vm0, v1, v3  }
0x71: {  	v3 =	vld [tilespmem:s31+$0x6400];
	[tilespmem:s29+$0x16790] =	vst v1  }
0x72: {  	v1 =	vld [tilespmem:s31+$0x6480];
	v2 =	vsel vm0, v2, v4  }
0x73: {  	v4 =	vld [tilespmem:s31+$0x6500];
	[tilespmem:s29+$0x167A0] =	vst v2;
	s29 =	smov.u32 s31  }
0x74: {  	v2 =	vld [tilespmem:s29+$0x6580];
	vm0 =	veq.s32 v6, $0x0  }
0x75: {  	v6 =	vld [tilespmem:s29+$0x6600];
	v0 =	vsel vm0, v0, v5  }
0x76: {  	vm7 =	veq.s32 v3, $0x0;
	v3 =	vld [tilespmem:s29+$0x6680];
	[tilespmem:s29+$0x167B0] =	vst v0  }
0x77: {  	vm6 =	veq.s32 v1, $0x0;
	v0 =	vld [tilespmem:s29+$0x6700]  }
0x78: {  	v1 =	vld [tilespmem:s29+$0xE400];
	vm5 =	veq.s32 v4, $0x0  }
0x79: {  	v4 =	vld [tilespmem:s29+$0xE440];
	vm4 =	veq.s32 v2, $0x0  }
0x7a: {  	v2 =	vld [tilespmem:s29+$0xE410];
	vm3 =	veq.s32 v6, $0x0  }
0x7b: {  	v5 =	vld [tilespmem:s29+$0xE450];
	vm2 =	veq.s32 v3, $0x0  }
0x7c: {  	v3 =	vld [tilespmem:s29+$0xE420];
	vm1 =	veq.s32 v0, $0x0  }
0x7d: {  	v0 =	vld [tilespmem:s29+$0xE460]  }
0x7e: {  	v1 =	vsel vm7, v1, v4;
	v4 =	vld [tilespmem:s29+$0xE430]  }
0x7f: {  	[tilespmem:s29+$0x16400] =	vst v1;
	v1 =	vld [tilespmem:s29+$0xE470]  }
0x80: {  	v2 =	vsel vm7, v2, v5;
	v5 =	vld [tilespmem:s29+$0xE480]  }
0x81: {  	[tilespmem:s29+$0x16410] =	vst v2;
	v2 =	vld [tilespmem:s29+$0xE4C0]  }
0x82: {  	v0 =	vsel vm7, v3, v0;
	v3 =	vld [tilespmem:s29+$0xE490]  }
0x83: {  	[tilespmem:s29+$0x16420] =	vst v0;
	v0 =	vld [tilespmem:s29+$0xE4D0]  }
0x84: {  	v1 =	vsel vm7, v4, v1;
	v4 =	vld [tilespmem:s29+$0xE4A0]  }
0x85: {  	[tilespmem:s29+$0x16430] =	vst v1;
	v1 =	vld [tilespmem:s29+$0xE4E0]  }
0x86: {  	v2 =	vsel vm6, v5, v2;
	v5 =	vld [tilespmem:s29+$0xE4B0]  }
0x87: {  	[tilespmem:s29+$0x16480] =	vst v2;
	v2 =	vld [tilespmem:s29+$0xE4F0]  }
0x88: {  	v0 =	vsel vm6, v3, v0;
	v3 =	vld [tilespmem:s29+$0xE500]  }
0x89: {  	[tilespmem:s29+$0x16490] =	vst v0;
	v0 =	vld [tilespmem:s29+$0xE540]  }
0x8a: {  	v1 =	vsel vm6, v4, v1;
	v4 =	vld [tilespmem:s29+$0xE510]  }
0x8b: {  	[tilespmem:s29+$0x164A0] =	vst v1;
	v1 =	vld [tilespmem:s29+$0xE550]  }
0x8c: {  	v2 =	vsel vm6, v5, v2;
	v5 =	vld [tilespmem:s29+$0xE520]  }
0x8d: {  	[tilespmem:s29+$0x164B0] =	vst v2;
	v2 =	vld [tilespmem:s29+$0xE560]  }
0x8e: {  	v0 =	vsel vm5, v3, v0;
	v3 =	vld [tilespmem:s29+$0xE530]  }
0x8f: {  	[tilespmem:s29+$0x16500] =	vst v0;
	v0 =	vld [tilespmem:s29+$0xE570]  }
0x90: {  	v1 =	vsel vm5, v4, v1;
	v4 =	vld [tilespmem:s29+$0xE580]  }
0x91: {  	[tilespmem:s29+$0x16510] =	vst v1;
	v1 =	vld [tilespmem:s29+$0xE5C0]  }
0x92: {  	v2 =	vsel vm5, v5, v2;
	v5 =	vld [tilespmem:s29+$0xE590]  }
0x93: {  	[tilespmem:s29+$0x16520] =	vst v2;
	v2 =	vld [tilespmem:s29+$0xE5D0]  }
0x94: {  	v0 =	vsel vm5, v3, v0;
	v3 =	vld [tilespmem:s29+$0xE5A0]  }
0x95: {  	[tilespmem:s29+$0x16530] =	vst v0;
	v0 =	vld [tilespmem:s29+$0xE5E0]  }
0x96: {  	v1 =	vsel vm4, v4, v1;
	v4 =	vld [tilespmem:s29+$0xE5B0]  }
0x97: {  	[tilespmem:s29+$0x16580] =	vst v1;
	v1 =	vld [tilespmem:s29+$0xE5F0]  }
0x98: {  	v2 =	vsel vm4, v5, v2;
	v5 =	vld [tilespmem:s29+$0xE600]  }
0x99: {  	[tilespmem:s29+$0x16590] =	vst v2;
	v2 =	vld [tilespmem:s29+$0xE640]  }
0x9a: {  	v0 =	vsel vm4, v3, v0;
	v3 =	vld [tilespmem:s29+$0xE610]  }
0x9b: {  	[tilespmem:s29+$0x165A0] =	vst v0;
	v0 =	vld [tilespmem:s29+$0xE650]  }
0x9c: {  	v1 =	vsel vm4, v4, v1;
	v4 =	vld [tilespmem:s29+$0xE620]  }
0x9d: {  	[tilespmem:s29+$0x165B0] =	vst v1;
	v1 =	vld [tilespmem:s29+$0xE660]  }
0x9e: {  	v2 =	vsel vm3, v5, v2;
	v5 =	vld [tilespmem:s29+$0xE630]  }
0x9f: {  	[tilespmem:s29+$0x16600] =	vst v2;
	v2 =	vld [tilespmem:s29+$0xE670]  }
0xa0: {  	v0 =	vsel vm3, v3, v0;
	v3 =	vld [tilespmem:s29+$0xE680]  }
0xa1: {  	[tilespmem:s29+$0x16610] =	vst v0;
	v0 =	vld [tilespmem:s29+$0xE6C0]  }
0xa2: {  	v1 =	vsel vm3, v4, v1;
	v4 =	vld [tilespmem:s29+$0xE690]  }
0xa3: {  	[tilespmem:s29+$0x16620] =	vst v1;
	v1 =	vld [tilespmem:s29+$0xE6D0]  }
0xa4: {  	v2 =	vsel vm3, v5, v2;
	v5 =	vld [tilespmem:s29+$0xE6A0]  }
0xa5: {  	[tilespmem:s29+$0x16630] =	vst v2;
	v2 =	vld [tilespmem:s29+$0xE6E0]  }
0xa6: {  	v0 =	vsel vm2, v3, v0;
	v3 =	vld [tilespmem:s29+$0xE6B0]  }
0xa7: {  	[tilespmem:s29+$0x16680] =	vst v0;
	v0 =	vld [tilespmem:s29+$0xE6F0]  }
0xa8: {  	v1 =	vsel vm2, v4, v1;
	v4 =	vld [tilespmem:s29+$0xE700]  }
0xa9: {  	[tilespmem:s29+$0x16690] =	vst v1;
	v1 =	vld [tilespmem:s29+$0xE740]  }
0xaa: {  	v2 =	vsel vm2, v5, v2;
	v5 =	vld [tilespmem:s29+$0xE710]  }
0xab: {  	[tilespmem:s29+$0x166A0] =	vst v2;
	v2 =	vld [tilespmem:s29+$0xE750]  }
0xac: {  	v0 =	vsel vm2, v3, v0;
	v3 =	vld [tilespmem:s29+$0xE720]  }
0xad: {  	[tilespmem:s29+$0x166B0] =	vst v0;
	v0 =	vld [tilespmem:s29+$0xE760]  }
0xae: {  	v1 =	vsel vm1, v4, v1;
	v4 =	vld [tilespmem:s29+$0xE730]  }
0xaf: {  	[tilespmem:s29+$0x16700] =	vst v1;
	v6 =	vld [tilespmem:s29+$0xE770]  }
0xb0: {  	v1 =	vsel vm1, v5, v2;
	v5 =	vld [tilespmem:s29+$0xE780]  }
0xb1: {  	[tilespmem:s29+$0x16710] =	vst v1;
	v7 =	vld [tilespmem:s29+$0xE7C0]  }
.Ltmp0:
0xb2: {  	v0 =	vsel vm1, v3, v0;
	v1 =	vld [tilespmem:s29+$0xE790];
	(pc) =	sbr.rel @p1 .LBB2_3-.Ltmp0, $4  }
0xb3: {  	[tilespmem:s29+$0x16720] =	vst v0;
	v3 =	vld [tilespmem:s29+$0xE7D0]  }
0xb4: {  	v0 =	vsel vm1, v4, v6;
	v2 =	vld [tilespmem:s29+$0xE7A0]  }
0xb5: {  	s31 =	sshra.s32 s30, $0x2;
	[tilespmem:s29+$0x16730] =	vst v0;
	v4 =	vld [tilespmem:s29+$0xE7E0]  }
0xb6: {  	s30 =	sadd.s32 $0x1000, s30;
	v0 =	vld [tilespmem:s31+$0xE7B0];
	v5 =	vsel vm0, v5, v7  }
0xb7: {  	v6 =	vld [tilespmem:s31+$0x6780];
	[tilespmem:s29+$0x16780] =	vst v5  }
0xb8: {  	v5 =	vld [tilespmem:s31+$0xE7F0];
	v1 =	vsel vm0, v1, v3  }
0xb9: {  	v3 =	vld [tilespmem:s31+$0x6400];
	[tilespmem:s29+$0x16790] =	vst v1  }
0xba: {  	v1 =	vld [tilespmem:s31+$0x6480];
	v2 =	vsel vm0, v2, v4  }
0xbb: {  	v4 =	vld [tilespmem:s31+$0x6500];
	[tilespmem:s29+$0x167A0] =	vst v2  }
0xbc: {  	v2 =	vld [tilespmem:s31+$0x6580]  }
0xbd: {  	vm0 =	veq.s32 v6, $0x0;
	v6 =	vld [tilespmem:s31+$0x6600]  }
0xbe: {  	v7 =	vld [tilespmem:s31+$0xE400]  }
0xbf: {  	v8 =	vld [tilespmem:s31+$0xE440]  }
0xc0: {  	v9 =	vld [tilespmem:s31+$0xE410]  }
0xc1: {  	v10 =	vld [tilespmem:s31+$0xE450]  }
0xc2: {  	v11 =	vld [tilespmem:s31+$0xE420]  }
0xc3: {  	v35 =	vld [tilespmem:s31+$0xE430]  }
0xc4: {  	v36 =	vld [tilespmem:s31+$0xE480]  }
0xc5: {  	vm1 =	veq.s32 v3, $0x0;
	v3 =	vld [tilespmem:s31+$0xE460]  }
0xc6: {  	v37 =	vld [tilespmem:s31+$0xE4C0]  }
0xc7: {  	v38 =	vld [tilespmem:s31+$0xE490];
	v7 =	vsel vm1, v7, v8  }
0xc8: {  	[tilespmem:s31+$0x16400] =	vst v7;
	v7 =	vld [tilespmem:s31+$0xE470]  }
0xc9: {  	v39 =	vld [tilespmem:s31+$0xE4A0]  }
0xca: {  	v40 =	vld [tilespmem:s31+$0xE4B0];
	v3 =	vsel vm1, v11, v3  }
0xcb: {  	[tilespmem:s31+$0x16420] =	vst v3;
	v3 =	vld [tilespmem:s31+$0xE4D0]  }
0xcc: {  	v41 =	vld [tilespmem:s31+$0xE500]  }
0xcd: {  	v9 =	vsel vm1, v9, v10;
	v7 =	vsel vm1, v35, v7;
	vm1 =	veq.s32 v1, $0x0;
	v1 =	vld [tilespmem:s31+$0xE4E0]  }
0xce: {  	v42 =	vld [tilespmem:s31+$0xE510]  }
0xcf: {  	v43 =	vld [tilespmem:s31+$0xE520];
	[tilespmem:s31+$0x16430] =	vst v7;
	v7 =	vsel vm1, v36, v37  }
0xd0: {  	v3 =	vsel vm1, v38, v3;
	[tilespmem:s31+$0x16480] =	vst v7;
	v7 =	vld [tilespmem:s31+$0xE4F0]  }
0xd1: {  	[tilespmem:s31+$0x16490] =	vst v3;
	v3 =	vld [tilespmem:s31+$0xE540]  }
0xd2: {  	v44 =	vld [tilespmem:s31+$0xE580];
	v1 =	vsel vm1, v39, v1  }
0xd3: {  	[tilespmem:s31+$0x164A0] =	vst v1;
	v1 =	vld [tilespmem:s31+$0xE550]  }
0xd4: {  	v45 =	vld [tilespmem:s31+$0xE590]  }
0xd5: {  	v7 =	vsel vm1, v40, v7;
	vm1 =	veq.s32 v4, $0x0;
	v4 =	vld [tilespmem:s31+$0xE560]  }
0xd6: {  	[tilespmem:s31+$0x164B0] =	vst v7;
	v3 =	vsel vm1, v41, v3;
	v7 =	vld [tilespmem:s31+$0xE530]  }
0xd7: {  	[tilespmem:s31+$0x16500] =	vst v3;
	v3 =	vld [tilespmem:s31+$0xE570]  }
0xd8: {  	v46 =	vld [tilespmem:s31+$0xE600];
	v1 =	vsel vm1, v42, v1  }
0xd9: {  	[tilespmem:s31+$0x16510] =	vst v1;
	v1 =	vld [tilespmem:s31+$0xE5C0]  }
0xda: {  	v0 =	vsel vm0, v0, v5;
	v5 =	vld [tilespmem:s31+$0x6680];
	v4 =	vsel vm1, v43, v4  }
0xdb: {  	[tilespmem:s31+$0x16520] =	vst v4;
	v4 =	vld [tilespmem:s31+$0xE5D0]  }
0xdc: {  	v3 =	vsel vm1, v7, v3;
	v7 =	vld [tilespmem:s31+$0xE5A0]  }
0xdd: {  	vm1 =	veq.s32 v2, $0x0;
	v2 =	vld [tilespmem:s31+$0xE5E0]  }
0xde: {  	[tilespmem:s31+$0x16530] =	vst v3;
	v3 =	vld [tilespmem:s31+$0xE5B0];
	v1 =	vsel vm1, v44, v1  }
0xdf: {  	[tilespmem:s31+$0x16580] =	vst v1;
	v1 =	vld [tilespmem:s31+$0xE5F0]  }
0xe0: {  	[tilespmem:s31+$0x167B0] =	vst v0;
	v0 =	vld [tilespmem:s31+$0x6700];
	v4 =	vsel vm1, v45, v4  }
0xe1: {  	[tilespmem:s31+$0x16590] =	vst v4;
	v4 =	vld [tilespmem:s31+$0xE640]  }
0xe2: {  	v2 =	vsel vm1, v7, v2;
	v7 =	vld [tilespmem:s31+$0xE610]  }
0xe3: {  	[tilespmem:s31+$0x165A0] =	vst v2;
	v2 =	vld [tilespmem:s31+$0xE650]  }
0xe4: {  	v1 =	vsel vm1, v3, v1;
	v3 =	vld [tilespmem:s31+$0xE620]  }
0xe5: {  	vm1 =	veq.s32 v6, $0x0;
	[tilespmem:s31+$0x165B0] =	vst v1;
	v1 =	vld [tilespmem:s31+$0xE660]  }
0xe6: {  	v6 =	vld [tilespmem:s31+$0xE630];
	v4 =	vsel vm1, v46, v4  }
0xe7: {  	[tilespmem:s31+$0x16600] =	vst v4;
	v4 =	vld [tilespmem:s31+$0xE670]  }
0xe8: {  	v2 =	vsel vm1, v7, v2;
	v7 =	vld [tilespmem:s31+$0xE680]  }
0xe9: {  	[tilespmem:s31+$0x16610] =	vst v2;
	v2 =	vld [tilespmem:s31+$0xE6C0]  }
0xea: {  	v1 =	vsel vm1, v3, v1;
	v3 =	vld [tilespmem:s31+$0xE690]  }
0xeb: {  	[tilespmem:s31+$0x16620] =	vst v1;
	v1 =	vld [tilespmem:s31+$0xE6D0]  }
0xec: {  	v4 =	vsel vm1, v6, v4;
	v6 =	vld [tilespmem:s31+$0xE6A0]  }
0xed: {  	vm1 =	veq.s32 v5, $0x0;
	[tilespmem:s31+$0x16630] =	vst v4;
	v4 =	vld [tilespmem:s31+$0xE6E0]  }
0xee: {  	v5 =	vld [tilespmem:s31+$0xE6B0];
	v2 =	vsel vm1, v7, v2  }
0xef: {  	[tilespmem:s31+$0x16680] =	vst v2;
	v2 =	vld [tilespmem:s31+$0xE6F0]  }
0xf0: {  	v1 =	vsel vm1, v3, v1;
	v3 =	vld [tilespmem:s31+$0xE700]  }
0xf1: {  	[tilespmem:s31+$0x16690] =	vst v1;
	v1 =	vld [tilespmem:s31+$0xE740]  }
0xf2: {  	v4 =	vsel vm1, v6, v4;
	v6 =	vld [tilespmem:s31+$0xE710]  }
0xf3: {  	[tilespmem:s31+$0x166A0] =	vst v4;
	v4 =	vld [tilespmem:s31+$0xE750]  }
0xf4: {  	v2 =	vsel vm1, v5, v2;
	v5 =	vld [tilespmem:s31+$0xE720]  }
0xf5: {  	vm1 =	veq.s32 v0, $0x0;
	v0 =	vld [tilespmem:s31+$0xE760];
	_ =	sdelay $0x1  }
0xf6: {  	[tilespmem:s31+$0x166B0] =	vst v2;
	v2 =	vld [tilespmem:s31+$0xE730];
	v1 =	vsel vm1, v3, v1  }
0xf7: {  	[tilespmem:s31+$0x16700] =	vst v1;
	v1 =	vld [tilespmem:s31+$0xE770]  }
0xf8: {  	v3 =	vsel vm1, v6, v4;
	v4 =	vld [tilespmem:s31+$0xE780]  }
0xf9: {  	v0 =	vsel vm1, v5, v0;
	v5 =	vld [tilespmem:s31+$0xE790]  }
0xfa: {  	[tilespmem:s31+$0x16710] =	vst v3;
	v3 =	vld [tilespmem:s31+$0xE7C0]  }
0xfb: {  	[tilespmem:s31+$0x16720] =	vst v0;
	v0 =	vld [tilespmem:s31+$0xE7D0]  }
0xfc: {  	v1 =	vsel vm1, v2, v1;
	v2 =	vld [tilespmem:s31+$0xE7A0]  }
0xfd: {  	[tilespmem:s31+$0x16730] =	vst v1;
	v1 =	vld [tilespmem:s31+$0xE7E0];
	_ =	sdelay $0x2  }
0xfe: {  	s29 =	sshll.u32 s25, $0xF;
	[tilespmem:s31+$0x16410] =	vst v9;
	v3 =	vsel vm0, v4, v3  }
0xff: {  	s29 =	sadd.s32 s8, s29;
	v0 =	vsel vm0, v5, v0;
	[tilespmem:s31+$0x16780] =	vst v3  }
0x100: {  	p1 =	seq.s32 s25, $0x63;
	s29 =	sshrl.u32 s29, $0x3;
	[tilespmem:s31+$0x16790] =	vst v0;
	v0 =	vsel vm0, v2, v1  }
0x101: {  	s28 =	sadd.s32 @!p1 $0x2, s28;
	s29 =	sadd.s32 s5, s29;
	[tilespmem:s31+$0x167A0] =	vst v0  }
0x102: {  	[hbm4b:s29+s2] =	stream.linear.scatter [tilespmem:s18], [sflag:$0x5], $0x4000, $0x38;
	[tilespmem:$0x1E400] =	vst v63  }
0x103: {  	s30 =	simm.s32 @!p1 $0x80;
	s29 =	sshll.u32 @!p1 s28, $0x7;
	s28 =	sshll.u32 @!p1 s28, $0xE  }
0x104: {  	s31 =	simm.s32 @!p1 $0xE400;
	s29 =	sand.u32 @!p1 $0x3FFFFF80, s29;
	s28 =	sadd.s32 @!p1 s8, s28  }
0x105: {  	[tilespmem:s31], [sflag:$0x1] =	stream.indirect.gather @!p1 [hbm4b:s3+s30], $0x80, s29, s30, $0xb8;
	[tilespmem:$0x1E400] =	vst v63  }
0x106: {  	s28 =	sshrl.u32 @!p1 s28, $0x3  }
0x107: {  	s29 =	simm.s32 @!p1 $0x0;
	s30 =	simm.s32 @!p1 $0x6400;
	s28 =	sadd.s32 @!p1 s4, s28  }
0x108: {  	[tilespmem:s30], [sflag:$0x3] =	stream.linear.gather @!p1 [hbm4b:s28+s29], $0x4000, $0x38;
	[tilespmem:$0x1E400] =	vst v63  }
0x109: {  	_ =	swait.ge [sflag:s19], $0x4000  }
0x10a: {  	[sflag:s19] =	ssyncset.done $0x0  }
0x10b: {  	[sflag:s19] =	ssyncadd.s32 $0xFFFFC000  }
0x10c: {  	_ =	swait.ge [sflag:s20], $0x4000  }
0x10d: {  	[sflag:s20] =	ssyncset.done $0x0  }
0x10e: {  	s28 =	simm.s32 @!p0 $0x6;
	[sflag:s20] =	ssyncadd.s32 $0xFFFFC000  }
0x10f: {  	_ =	swait.ge @!p0 [sflag:s28], $0x4000  }
0x110: {  	[sflag:s28] =	ssyncset.done @!p0 $0x0  }
0x111: {  	[sflag:s28] =	ssyncadd.s32 @!p0 $0xFFFFC000;
	s28 =	simm.s32 $0x0  }
0x112: {  	v0 =	vld [tilespmem:s28+$0x127B0]  }
0x113: {  	v1 =	vld [tilespmem:s28+$0xA780]  }
0x114: {  	v2 =	vld [tilespmem:s28+$0x127F0]  }
0x115: {  	v3 =	vld [tilespmem:s28+$0xA400]  }
0x116: {  	v4 =	vld [tilespmem:s28+$0xA480]  }
0x117: {  	v5 =	vld [tilespmem:s28+$0xA500]  }
0x118: {  	v6 =	vld [tilespmem:s28+$0xA580]  }
0x119: {  	v7 =	vld [tilespmem:s28+$0x12400]  }
0x11a: {  	v47 =	vld [tilespmem:s28+$0x12440]  }
0x11b: {  	v48 =	vld [tilespmem:s28+$0x12410]  }
0x11c: {  	v49 =	vld [tilespmem:s28+$0x12450]  }
0x11d: {  	v50 =	vld [tilespmem:s28+$0x12420]  }
0x11e: {  	v51 =	vld [tilespmem:s28+$0x12430]  }
0x11f: {  	vm1 =	veq.s32 v3, $0x0;
	v3 =	vld [tilespmem:s28+$0x12460]  }
0x120: {  	v52 =	vld [tilespmem:s28+$0x12480]  }
0x121: {  	v53 =	vld [tilespmem:s28+$0x124C0];
	v7 =	vsel vm1, v7, v47  }
0x122: {  	[tilespmem:s28+$0x1A400] =	vst v7;
	v7 =	vld [tilespmem:s28+$0x12470]  }
0x123: {  	v54 =	vld [tilespmem:s28+$0x12490]  }
0x124: {  	v55 =	vld [tilespmem:s28+$0x124A0];
	v3 =	vsel vm1, v50, v3  }
0x125: {  	[tilespmem:s28+$0x1A420] =	vst v3;
	v3 =	vld [tilespmem:s28+$0x124D0]  }
0x126: {  	v56 =	vld [tilespmem:s28+$0x124B0]  }
0x127: {  	v9 =	vsel vm1, v48, v49;
	v7 =	vsel vm1, v51, v7;
	vm1 =	veq.s32 v4, $0x0;
	v4 =	vld [tilespmem:s28+$0x124E0]  }
0x128: {  	v57 =	vld [tilespmem:s28+$0x12500]  }
0x129: {  	v58 =	vld [tilespmem:s28+$0x12510];
	[tilespmem:s28+$0x1A430] =	vst v7;
	v7 =	vsel vm1, v52, v53  }
0x12a: {  	[tilespmem:s28+$0x1A480] =	vst v7;
	v7 =	vld [tilespmem:s28+$0x124F0];
	v3 =	vsel vm1, v54, v3  }
0x12b: {  	[tilespmem:s28+$0x1A490] =	vst v3;
	v3 =	vld [tilespmem:s28+$0x12540]  }
0x12c: {  	v59 =	vld [tilespmem:s28+$0x12520];
	v4 =	vsel vm1, v55, v4  }
0x12d: {  	[tilespmem:s28+$0x1A4A0] =	vst v4;
	v4 =	vld [tilespmem:s28+$0x12550]  }
0x12e: {  	v60 =	vld [tilespmem:s28+$0x12580]  }
0x12f: {  	v7 =	vsel vm1, v56, v7;
	vm1 =	veq.s32 v5, $0x0;
	v5 =	vld [tilespmem:s28+$0x12560]  }
0x130: {  	[tilespmem:s28+$0x1A4B0] =	vst v7;
	v7 =	vld [tilespmem:s28+$0x12530];
	v3 =	vsel vm1, v57, v3  }
0x131: {  	[tilespmem:s28+$0x1A500] =	vst v3;
	v3 =	vld [tilespmem:s28+$0x12570]  }
0x132: {  	v61 =	vld [tilespmem:s28+$0x12590];
	v4 =	vsel vm1, v58, v4  }
0x133: {  	[tilespmem:s28+$0x1A510] =	vst v4;
	v4 =	vld [tilespmem:s28+$0x125C0]  }
0x134: {  	v62 =	vld [tilespmem:s28+$0x12600];
	v5 =	vsel vm1, v59, v5  }
0x135: {  	[tilespmem:s28+$0x1A520] =	vst v5;
	v5 =	vld [tilespmem:s28+$0x125D0]  }
0x136: {  	v3 =	vsel vm1, v7, v3;
	v7 =	vld [tilespmem:s28+$0x125A0]  }
0x137: {  	vm1 =	veq.s32 v6, $0x0;
	[tilespmem:s28+$0x1A530] =	vst v3;
	v3 =	vld [tilespmem:s28+$0x125E0]  }
0x138: {  	v6 =	vld [tilespmem:s28+$0x125B0];
	v4 =	vsel vm1, v60, v4  }
0x139: {  	[tilespmem:s28+$0x1A580] =	vst v4;
	v4 =	vld [tilespmem:s28+$0x125F0]  }
0x13a: {  	vm0 =	veq.s32 v1, $0x0;
	v1 =	vld [tilespmem:s28+$0xA600];
	v5 =	vsel vm1, v61, v5  }
0x13b: {  	[tilespmem:s28+$0x1A590] =	vst v5;
	v5 =	vld [tilespmem:s28+$0x12640]  }
0x13c: {  	v3 =	vsel vm1, v7, v3;
	v7 =	vld [tilespmem:s28+$0x12610]  }
0x13d: {  	[tilespmem:s28+$0x1A5A0] =	vst v3;
	v3 =	vld [tilespmem:s28+$0x12650]  }
0x13e: {  	v4 =	vsel vm1, v6, v4;
	v6 =	vld [tilespmem:s28+$0x12620]  }
0x13f: {  	vm1 =	veq.s32 v1, $0x0;
	v1 =	vld [tilespmem:s28+$0x12660]  }
0x140: {  	v0 =	vsel vm0, v0, v2;
	v2 =	vld [tilespmem:s28+$0xA680]  }
0x141: {  	[tilespmem:s28+$0x1A5B0] =	vst v4;
	v4 =	vsel vm1, v62, v5;
	v5 =	vld [tilespmem:s28+$0x12630]  }
0x142: {  	[tilespmem:s28+$0x1A600] =	vst v4;
	v4 =	vld [tilespmem:s28+$0x12670]  }
0x143: {  	v3 =	vsel vm1, v7, v3;
	v7 =	vld [tilespmem:s28+$0x12680]  }
0x144: {  	v1 =	vsel vm1, v6, v1;
	v6 =	vld [tilespmem:s28+$0x12690]  }
0x145: {  	[tilespmem:s28+$0x1A610] =	vst v3;
	v3 =	vld [tilespmem:s28+$0x126C0]  }
0x146: {  	[tilespmem:s28+$0x1A620] =	vst v1;
	v1 =	vld [tilespmem:s28+$0x126D0]  }
0x147: {  	[tilespmem:s28+$0x1A7B0] =	vst v0;
	v0 =	vld [tilespmem:s28+$0xA700]  }
0x148: {  	v4 =	vsel vm1, v5, v4;
	v5 =	vld [tilespmem:s28+$0x126A0]  }
0x149: {  	vm1 =	veq.s32 v2, $0x0;
	v2 =	vld [tilespmem:s28+$0x126E0]  }
0x14a: {  	[tilespmem:s28+$0x1A630] =	vst v4;
	v4 =	vld [tilespmem:s28+$0x126B0]  }
0x14b: {  	v3 =	vsel vm1, v7, v3;
	v1 =	vsel vm1, v6, v1;
	v6 =	vld [tilespmem:s28+$0x12700]  }
0x14c: {  	[tilespmem:s28+$0x1A680] =	vst v3;
	v3 =	vld [tilespmem:s28+$0x126F0]  }
0x14d: {  	v7 =	vld [tilespmem:s28+$0x12770]  }
0x14e: {  	[tilespmem:s28+$0x1A690] =	vst v1;
	v1 =	vld [tilespmem:s28+$0x12740]  }
0x14f: {  	v2 =	vsel vm1, v5, v2;
	v5 =	vld [tilespmem:s28+$0x12710]  }
0x150: {  	[tilespmem:s28+$0x1A6A0] =	vst v2;
	v2 =	vld [tilespmem:s28+$0x12750]  }
0x151: {  	v3 =	vsel vm1, v4, v3;
	v4 =	vld [tilespmem:s28+$0x12720]  }
0x152: {  	vm1 =	veq.s32 v0, $0x0;
	v0 =	vld [tilespmem:s28+$0x12760]  }
0x153: {  	v1 =	vsel vm1, v6, v1;
	v6 =	vld [tilespmem:s28+$0x12730]  }
0x154: {  	v63 =	vld [tilespmem:s28+$0x127C0];
	[tilespmem:s28+$0x1A410] =	vst v9  }
0x155: {  	[tilespmem:s28+$0x1A700] =	vst v1;
	v1 =	vsel vm1, v5, v2;
	v5 =	vld [tilespmem:s28+$0x12780]  }
0x156: {  	[tilespmem:s28+$0x1A6B0] =	vst v3;
	v3 =	vld [tilespmem:s28+$0x127D0]  }
0x157: {  	[tilespmem:s28+$0x1A710] =	vst v1;
	v1 =	vld [tilespmem:s28+$0x12790];
	v0 =	vsel vm1, v4, v0  }
0x158: {  	v2 =	vld [tilespmem:s28+$0x127A0];
	[tilespmem:s28+$0x1A720] =	vst v0;
	v0 =	vsel vm1, v6, v7  }
0x159: {  	s30 =	simm.s32 $0x400;
	v4 =	vld [tilespmem:s28+$0x127E0];
	[tilespmem:s28+$0x1A730] =	vst v0  }
0x15a: {  	s29 =	simm.s32 $0x2000;
	v5 =	vsel vm0, v5, v63;
	v0 =	vld [tilespmem:s30+$0x127B0]  }
.LBB2_5:
0x15b: {  	p0 =	sne.s32 s29, $0xF000;
	v6 =	vld [tilespmem:s30+$0xA780];
	[tilespmem:s28+$0x1A780] =	vst v5  }
0x15c: {  	v5 =	vld [tilespmem:s30+$0x127F0];
	v1 =	vsel vm0, v1, v3  }
0x15d: {  	v3 =	vld [tilespmem:s30+$0xA400];
	[tilespmem:s28+$0x1A790] =	vst v1  }
0x15e: {  	v1 =	vld [tilespmem:s30+$0xA480];
	v2 =	vsel vm0, v2, v4  }
0x15f: {  	v4 =	vld [tilespmem:s30+$0xA500];
	[tilespmem:s28+$0x1A7A0] =	vst v2;
	s28 =	smov.u32 s30  }
0x160: {  	v2 =	vld [tilespmem:s28+$0xA580];
	vm0 =	veq.s32 v6, $0x0  }
0x161: {  	v6 =	vld [tilespmem:s28+$0xA600];
	v0 =	vsel vm0, v0, v5  }
0x162: {  	vm7 =	veq.s32 v3, $0x0;
	v3 =	vld [tilespmem:s28+$0xA680];
	[tilespmem:s28+$0x1A7B0] =	vst v0  }
0x163: {  	vm6 =	veq.s32 v1, $0x0;
	v0 =	vld [tilespmem:s28+$0xA700]  }
0x164: {  	v1 =	vld [tilespmem:s28+$0x12400];
	vm5 =	veq.s32 v4, $0x0  }
0x165: {  	v4 =	vld [tilespmem:s28+$0x12440];
	vm4 =	veq.s32 v2, $0x0  }
0x166: {  	v2 =	vld [tilespmem:s28+$0x12410];
	vm3 =	veq.s32 v6, $0x0  }
0x167: {  	v5 =	vld [tilespmem:s28+$0x12450];
	vm2 =	veq.s32 v3, $0x0  }
0x168: {  	v3 =	vld [tilespmem:s28+$0x12420];
	vm1 =	veq.s32 v0, $0x0  }
0x169: {  	v0 =	vld [tilespmem:s28+$0x12460]  }
0x16a: {  	v1 =	vsel vm7, v1, v4;
	v4 =	vld [tilespmem:s28+$0x12430]  }
0x16b: {  	[tilespmem:s28+$0x1A400] =	vst v1;
	v1 =	vld [tilespmem:s28+$0x12470]  }
0x16c: {  	v2 =	vsel vm7, v2, v5;
	v5 =	vld [tilespmem:s28+$0x12480]  }
0x16d: {  	[tilespmem:s28+$0x1A410] =	vst v2;
	v2 =	vld [tilespmem:s28+$0x124C0]  }
0x16e: {  	v0 =	vsel vm7, v3, v0;
	v3 =	vld [tilespmem:s28+$0x12490]  }
0x16f: {  	[tilespmem:s28+$0x1A420] =	vst v0;
	v0 =	vld [tilespmem:s28+$0x124D0]  }
0x170: {  	v1 =	vsel vm7, v4, v1;
	v4 =	vld [tilespmem:s28+$0x124A0]  }
0x171: {  	[tilespmem:s28+$0x1A430] =	vst v1;
	v1 =	vld [tilespmem:s28+$0x124E0]  }
0x172: {  	v2 =	vsel vm6, v5, v2;
	v5 =	vld [tilespmem:s28+$0x124B0]  }
0x173: {  	[tilespmem:s28+$0x1A480] =	vst v2;
	v2 =	vld [tilespmem:s28+$0x124F0]  }
0x174: {  	v0 =	vsel vm6, v3, v0;
	v3 =	vld [tilespmem:s28+$0x12500]  }
0x175: {  	[tilespmem:s28+$0x1A490] =	vst v0;
	v0 =	vld [tilespmem:s28+$0x12540]  }
0x176: {  	v1 =	vsel vm6, v4, v1;
	v4 =	vld [tilespmem:s28+$0x12510]  }
0x177: {  	[tilespmem:s28+$0x1A4A0] =	vst v1;
	v1 =	vld [tilespmem:s28+$0x12550]  }
0x178: {  	v2 =	vsel vm6, v5, v2;
	v5 =	vld [tilespmem:s28+$0x12520]  }
0x179: {  	[tilespmem:s28+$0x1A4B0] =	vst v2;
	v2 =	vld [tilespmem:s28+$0x12560]  }
0x17a: {  	v0 =	vsel vm5, v3, v0;
	v3 =	vld [tilespmem:s28+$0x12530]  }
0x17b: {  	[tilespmem:s28+$0x1A500] =	vst v0;
	v0 =	vld [tilespmem:s28+$0x12570]  }
0x17c: {  	v1 =	vsel vm5, v4, v1;
	v4 =	vld [tilespmem:s28+$0x12580]  }
0x17d: {  	[tilespmem:s28+$0x1A510] =	vst v1;
	v1 =	vld [tilespmem:s28+$0x125C0]  }
0x17e: {  	v2 =	vsel vm5, v5, v2;
	v5 =	vld [tilespmem:s28+$0x12590]  }
0x17f: {  	[tilespmem:s28+$0x1A520] =	vst v2;
	v2 =	vld [tilespmem:s28+$0x125D0]  }
0x180: {  	v0 =	vsel vm5, v3, v0;
	v3 =	vld [tilespmem:s28+$0x125A0]  }
0x181: {  	[tilespmem:s28+$0x1A530] =	vst v0;
	v0 =	vld [tilespmem:s28+$0x125E0]  }
0x182: {  	v1 =	vsel vm4, v4, v1;
	v4 =	vld [tilespmem:s28+$0x125B0]  }
0x183: {  	[tilespmem:s28+$0x1A580] =	vst v1;
	v1 =	vld [tilespmem:s28+$0x125F0]  }
0x184: {  	v2 =	vsel vm4, v5, v2;
	v5 =	vld [tilespmem:s28+$0x12600]  }
0x185: {  	[tilespmem:s28+$0x1A590] =	vst v2;
	v2 =	vld [tilespmem:s28+$0x12640]  }
0x186: {  	v0 =	vsel vm4, v3, v0;
	v3 =	vld [tilespmem:s28+$0x12610]  }
0x187: {  	[tilespmem:s28+$0x1A5A0] =	vst v0;
	v0 =	vld [tilespmem:s28+$0x12650]  }
0x188: {  	v1 =	vsel vm4, v4, v1;
	v4 =	vld [tilespmem:s28+$0x12620]  }
0x189: {  	[tilespmem:s28+$0x1A5B0] =	vst v1;
	v1 =	vld [tilespmem:s28+$0x12660]  }
0x18a: {  	v2 =	vsel vm3, v5, v2;
	v5 =	vld [tilespmem:s28+$0x12630]  }
0x18b: {  	[tilespmem:s28+$0x1A600] =	vst v2;
	v2 =	vld [tilespmem:s28+$0x12670]  }
0x18c: {  	v0 =	vsel vm3, v3, v0;
	v3 =	vld [tilespmem:s28+$0x12680]  }
0x18d: {  	[tilespmem:s28+$0x1A610] =	vst v0;
	v0 =	vld [tilespmem:s28+$0x126C0]  }
0x18e: {  	v1 =	vsel vm3, v4, v1;
	v4 =	vld [tilespmem:s28+$0x12690]  }
0x18f: {  	[tilespmem:s28+$0x1A620] =	vst v1;
	v1 =	vld [tilespmem:s28+$0x126D0]  }
0x190: {  	v2 =	vsel vm3, v5, v2;
	v5 =	vld [tilespmem:s28+$0x126A0]  }
0x191: {  	[tilespmem:s28+$0x1A630] =	vst v2;
	v2 =	vld [tilespmem:s28+$0x126E0]  }
0x192: {  	v0 =	vsel vm2, v3, v0;
	v3 =	vld [tilespmem:s28+$0x126B0]  }
0x193: {  	[tilespmem:s28+$0x1A680] =	vst v0;
	v0 =	vld [tilespmem:s28+$0x126F0]  }
0x194: {  	v1 =	vsel vm2, v4, v1;
	v4 =	vld [tilespmem:s28+$0x12700]  }
0x195: {  	[tilespmem:s28+$0x1A690] =	vst v1;
	v1 =	vld [tilespmem:s28+$0x12740]  }
0x196: {  	v2 =	vsel vm2, v5, v2;
	v5 =	vld [tilespmem:s28+$0x12710]  }
0x197: {  	[tilespmem:s28+$0x1A6A0] =	vst v2;
	v2 =	vld [tilespmem:s28+$0x12750]  }
0x198: {  	v0 =	vsel vm2, v3, v0;
	v3 =	vld [tilespmem:s28+$0x12720]  }
0x199: {  	[tilespmem:s28+$0x1A6B0] =	vst v0;
	v0 =	vld [tilespmem:s28+$0x12760]  }
0x19a: {  	v1 =	vsel vm1, v4, v1;
	v4 =	vld [tilespmem:s28+$0x12730]  }
0x19b: {  	[tilespmem:s28+$0x1A700] =	vst v1;
	v6 =	vld [tilespmem:s28+$0x12770]  }
0x19c: {  	v1 =	vsel vm1, v5, v2;
	v5 =	vld [tilespmem:s28+$0x12780]  }
0x19d: {  	[tilespmem:s28+$0x1A710] =	vst v1;
	v7 =	vld [tilespmem:s28+$0x127C0]  }
.Ltmp1:
0x19e: {  	v0 =	vsel vm1, v3, v0;
	v1 =	vld [tilespmem:s28+$0x12790];
	(pc) =	sbr.rel @p0 .LBB2_5-.Ltmp1, $4  }
0x19f: {  	[tilespmem:s28+$0x1A720] =	vst v0;
	v3 =	vld [tilespmem:s28+$0x127D0]  }
0x1a0: {  	v0 =	vsel vm1, v4, v6;
	v2 =	vld [tilespmem:s28+$0x127A0]  }
0x1a1: {  	s30 =	sshra.s32 s29, $0x2;
	[tilespmem:s28+$0x1A730] =	vst v0;
	v4 =	vld [tilespmem:s28+$0x127E0]  }
0x1a2: {  	s29 =	sadd.s32 $0x1000, s29;
	v0 =	vld [tilespmem:s30+$0x127B0];
	v5 =	vsel vm0, v5, v7  }
0x1a3: {  	v6 =	vld [tilespmem:s30+$0xA780];
	[tilespmem:s28+$0x1A780] =	vst v5  }
0x1a4: {  	v5 =	vld [tilespmem:s30+$0x127F0];
	v1 =	vsel vm0, v1, v3  }
0x1a5: {  	v51 =	vld [tilespmem:s30+$0xA400];
	[tilespmem:s28+$0x1A790] =	vst v1  }
0x1a6: {  	v1 =	vld [tilespmem:s30+$0xA480];
	v2 =	vsel vm0, v2, v4  }
0x1a7: {  	v52 =	vld [tilespmem:s30+$0xA500];
	[tilespmem:s28+$0x1A7A0] =	vst v2  }
0x1a8: {  	v2 =	vld [tilespmem:s30+$0xA580]  }
0x1a9: {  	v53 =	vld [tilespmem:s30+$0xA600]  }
0x1aa: {  	v54 =	vld [tilespmem:s30+$0xA680]  }
0x1ab: {  	v55 =	vld [tilespmem:s30+$0xA700]  }
0x1ac: {  	v7 =	vld [tilespmem:s30+$0x12400]  }
0x1ad: {  	v8 =	vld [tilespmem:s30+$0x12440]  }
0x1ae: {  	v9 =	vld [tilespmem:s30+$0x12410]  }
0x1af: {  	v10 =	vld [tilespmem:s30+$0x12450]  }
0x1b0: {  	v11 =	vld [tilespmem:s30+$0x12420]  }
0x1b1: {  	v56 =	vld [tilespmem:s30+$0x12460]  }
0x1b2: {  	v57 =	vld [tilespmem:s30+$0x12430]  }
0x1b3: {  	v58 =	vld [tilespmem:s30+$0x12470]  }
0x1b4: {  	v59 =	vld [tilespmem:s30+$0x12480]  }
0x1b5: {  	v60 =	vld [tilespmem:s30+$0x124C0]  }
0x1b6: {  	v61 =	vld [tilespmem:s30+$0x12490]  }
0x1b7: {  	v62 =	vld [tilespmem:s30+$0x124D0]  }
0x1b8: {  	v63 =	vld [tilespmem:s30+$0x124A0]  }
0x1b9: {  	v12 =	vld [tilespmem:s30+$0x124E0]  }
0x1ba: {  	v14 =	vld [tilespmem:s30+$0x124B0]  }
0x1bb: {  	v15 =	vld [tilespmem:s30+$0x124F0]  }
0x1bc: {  	v16 =	vld [tilespmem:s30+$0x12500]  }
0x1bd: {  	v17 =	vld [tilespmem:s30+$0x12540]  }
0x1be: {  	v18 =	vld [tilespmem:s30+$0x12510]  }
0x1bf: {  	v19 =	vld [tilespmem:s30+$0x12550]  }
0x1c0: {  	v20 =	vld [tilespmem:s30+$0x12520]  }
0x1c1: {  	v21 =	vld [tilespmem:s30+$0x12560]  }
0x1c2: {  	v22 =	vld [tilespmem:s30+$0x12530]  }
0x1c3: {  	v23 =	vld [tilespmem:s30+$0x12570]  }
0x1c4: {  	v24 =	vld [tilespmem:s30+$0x12580]  }
0x1c5: {  	v25 =	vld [tilespmem:s30+$0x125C0]  }
0x1c6: {  	v26 =	vld [tilespmem:s30+$0x12590]  }
0x1c7: {  	v27 =	vld [tilespmem:s30+$0x125D0]  }
0x1c8: {  	v28 =	vld [tilespmem:s30+$0x125A0]  }
0x1c9: {  	v29 =	vld [tilespmem:s30+$0x125E0]  }
0x1ca: {  	v30 =	vld [tilespmem:s30+$0x125B0]  }
0x1cb: {  	v31 =	vld [tilespmem:s30+$0x125F0]  }
0x1cc: {  	v32 =	vld [tilespmem:s30+$0x12600]  }
0x1cd: {  	v33 =	vld [tilespmem:s30+$0x12640]  }
0x1ce: {  	vm9 =	veq.s32 v6, $0x0;
	v34 =	vld [tilespmem:s30+$0x12610]  }
0x1cf: {  	v35 =	vld [tilespmem:s30+$0x12650];
	v0 =	vsel vm9, v0, v5;
	vm1 =	veq.s32 v51, $0x0  }
0x1d0: {  	v36 =	vld [tilespmem:s30+$0x12620];
	[tilespmem:s30+$0x1A7B0] =	vst v0;
	v7 =	vsel vm1, v7, v8  }
0x1d1: {  	v37 =	vld [tilespmem:s30+$0x12660];
	v9 =	vsel vm1, v9, v10;
	[tilespmem:s30+$0x1A400] =	vst v7  }
0x1d2: {  	v38 =	vld [tilespmem:s30+$0x12630];
	vm10 =	veq.s32 v1, $0x0;
	v3 =	vsel vm1, v11, v56;
	[tilespmem:s30+$0x1A410] =	vst v9  }
0x1d3: {  	v39 =	vld [tilespmem:s30+$0x12670];
	v13 =	vsel vm10, v59, v60;
	[tilespmem:s30+$0x1A420] =	vst v3  }
0x1d4: {  	v40 =	vld [tilespmem:s30+$0x12680];
	vm11 =	veq.s32 v52, $0x0;
	v1 =	vsel vm10, v63, v12;
	[tilespmem:s30+$0x1A480] =	vst v13  }
0x1d5: {  	v50 =	vld [tilespmem:s30+$0x12710];
	v4 =	vsel vm11, v20, v21;
	[tilespmem:s30+$0x1A4A0] =	vst v1  }
0x1d6: {  	v51 =	vld [tilespmem:s30+$0x12750];
	v7 =	vsel vm1, v57, v58;
	[tilespmem:s30+$0x1A520] =	vst v4  }
0x1d7: {  	v41 =	vld [tilespmem:s30+$0x126C0];
	v3 =	vsel vm10, v61, v62;
	[tilespmem:s30+$0x1A430] =	vst v7  }
0x1d8: {  	v42 =	vld [tilespmem:s30+$0x12690];
	vm12 =	veq.s32 v2, $0x0;
	v1 =	vsel vm11, v18, v19;
	[tilespmem:s30+$0x1A490] =	vst v3  }
0x1d9: {  	v43 =	vld [tilespmem:s30+$0x126D0];
	v4 =	vsel vm12, v26, v27;
	[tilespmem:s30+$0x1A510] =	vst v1  }
0x1da: {  	v44 =	vld [tilespmem:s30+$0x126A0];
	vm15 =	veq.s32 v55, $0x0;
	v2 =	vsel vm12, v28, v29;
	[tilespmem:s30+$0x1A590] =	vst v4  }
0x1db: {  	v45 =	vld [tilespmem:s30+$0x126E0];
	v56 =	vsel vm15, v50, v51;
	[tilespmem:s30+$0x1A5A0] =	vst v2  }
0x1dc: {  	v46 =	vld [tilespmem:s30+$0x126B0];
	v7 =	vsel vm10, v14, v15;
	[tilespmem:s30+$0x1A710] =	vst v56  }
0x1dd: {  	v47 =	vld [tilespmem:s30+$0x126F0];
	v3 =	vsel vm11, v16, v17;
	[tilespmem:s30+$0x1A4B0] =	vst v7  }
0x1de: {  	v48 =	vld [tilespmem:s30+$0x12700];
	vm13 =	veq.s32 v53, $0x0;
	v1 =	vsel vm12, v24, v25;
	[tilespmem:s30+$0x1A500] =	vst v3  }
0x1df: {  	v49 =	vld [tilespmem:s30+$0x12740];
	v4 =	vsel vm13, v32, v33;
	[tilespmem:s30+$0x1A580] =	vst v1  }
0x1e0: {  	v52 =	vld [tilespmem:s30+$0x12720];
	v2 =	vsel vm13, v34, v35;
	[tilespmem:s30+$0x1A600] =	vst v4  }
0x1e1: {  	v53 =	vld [tilespmem:s30+$0x12760];
	v3 =	vsel vm11, v22, v23;
	[tilespmem:s30+$0x1A610] =	vst v2  }
0x1e2: {  	vm14 =	veq.s32 v54, $0x0;
	v54 =	vld [tilespmem:s30+$0x12730];
	v1 =	vsel vm12, v30, v31;
	[tilespmem:s30+$0x1A530] =	vst v3  }
0x1e3: {  	v59 =	vld [tilespmem:s30+$0x12790];
	v4 =	vsel vm13, v38, v39;
	[tilespmem:s30+$0x1A5B0] =	vst v1  }
0x1e4: {  	v60 =	vld [tilespmem:s30+$0x127D0];
	v2 =	vsel vm14, v40, v41;
	[tilespmem:s30+$0x1A630] =	vst v4  }
0x1e5: {  	v57 =	vld [tilespmem:s30+$0x12780];
	v1 =	vsel vm13, v36, v37;
	[tilespmem:s30+$0x1A680] =	vst v2  }
0x1e6: {  	v58 =	vld [tilespmem:s30+$0x127C0];
	v4 =	vsel vm14, v44, v45;
	[tilespmem:s30+$0x1A620] =	vst v1  }
0x1e7: {  	v61 =	vld [tilespmem:s30+$0x127A0];
	v2 =	vsel vm14, v46, v47;
	[tilespmem:s30+$0x1A6A0] =	vst v4  }
0x1e8: {  	v62 =	vld [tilespmem:s30+$0x127E0];
	v1 =	vsel vm14, v42, v43;
	[tilespmem:s30+$0x1A6B0] =	vst v2  }
0x1e9: {  	v55 =	vld [tilespmem:s30+$0x12770];
	v0 =	vsel vm15, v52, v53;
	[tilespmem:s30+$0x1A690] =	vst v1  }
0x1ea: {  	s25 =	sadd.s32 $0x1, s25;
	v1 =	vsel vm15, v48, v49;
	[tilespmem:s30+$0x1A720] =	vst v0  }
0x1eb: {  	p0 =	sne.s32 s25, $0x64;
	v3 =	vsel vm9, v57, v58;
	[tilespmem:s30+$0x1A700] =	vst v1  }
.Ltmp2:
0x1ec: {  	v0 =	vsel vm9, v59, v60;
	[tilespmem:s30+$0x1A780] =	vst v3;
	(pc) =	sbr.rel @p0 .LBB2_2-.Ltmp2, $4  }
0x1ed: {  	v63 =	vsel vm9, v61, v62;
	[tilespmem:s30+$0x1A790] =	vst v0  }
0x1ee: {  	v1 =	vsel vm15, v54, v55;
	[tilespmem:s30+$0x1A7A0] =	vst v63  }
0x1ef: {  	s26 =	sadd.s32 s5, s26;
	[tilespmem:s30+$0x1A730] =	vst v1  }
0x1f0: {  	[hbm4b:s26+s2] =	stream.linear.scatter [tilespmem:s21], [sflag:$0x6], $0x4000, $0x38;
	[tilespmem:$0x1E400] =	vst v63  }
0x1f1: {  	s24 =	sadd.s32 $0x1, s24  }
0x1f2: {  	_ =	swait.ge [sflag:s22], $0x4000;
	p0 =	sne.s32 s24, s9  }
.Ltmp3:
0x1f3: {  	[sflag:s22] =	ssyncset.done $0x0;
	(pc) =	sbr.rel @p0 .LBB2_1-.Ltmp3, $4  }
0x1f4: {  	[sflag:s22] =	ssyncadd.s32 $0xFFFFC000  }
0x1f5: {  	_ =	swait.ge [sflag:s23], $0x4000  }
0x1f6: {  	[sflag:s23] =	ssyncset.done $0x0  }
0x1f7: {  	[sflag:s23] =	ssyncadd.s32 $0xFFFFC000  }
0x1f8: {  	_ =	sfence.sel $0x180000  }
0x1f9: {  	[bflag:$0x0] =	sbarrier.arrive $0xFFFF  }
0x1fa: {  	p0 =	sne.s32 s1, $0x0;
	_ =	strace $0x90000047  }
0x1fb: {  	s0 =	sadd.s32 @!p0 $0x100000, s0;
	[bflag:$0x2] =	sbarrier.arrive $0xFFFF  }
0x1fc: {  	[sflag:s0] =	ssyncadd.tile.s32 @!p0 $0x1;
	_ =	shalt  }
.Lfunc_end2:
_tile_overlayer_lowered:
.L_overlay_start_2:
0x1fd: {  	(tag) =	ssettag $0x2  }
0x1fe: {  	s0 =	rddreg [dreg:$0x0];
	s2 =	stileid.u32  }
0x1ff: {  	s1 =	rddreg [dreg:$0x1];
	p0 =	sne.s32 s2, $0x0  }
0x200: {  	s3 =	rddreg [dreg:$0x2];
	[bflag:$0x3] =	sbarrier.arrive $0xFFFF;
	s2 =	simm.s32 @!p0 $0x1C07  }
0x201: {  	[timem:s3], [sflag:s2] =	dma.local @!p0 [hbm:s0], s1  }
0x202: {  	s0 =	simm.s32 @!p0 $0x7  }
0x203: {  	_ =	swait.ge @!p0 [sflag:s0], s1  }
0x204: {  	s1 =	ssub.s32 @!p0 $0x0, s1;
	[sflag:s0] =	ssyncset.done @!p0 $0x0  }
0x205: {  	[sflag:s0] =	ssyncadd.s32 @!p0 s1  }
0x206: {  	[bflag:$0x3] =	sbarrier.arrive $0xFFFF  }
0x207: {  	_ =	shalt  }

</sc_bundles>
